<compile_context>
chip_gen: v7x
topology: tpu7x:2x2x1
jax: 0.10.2.dev20260603
libtpu: 0.0.44.dev20260713+nightly
codegen_flags: <defaults>
</compile_context>

<pallas_src>
import functools

import jax
import jax.numpy as jnp
from jax import lax
from jax.experimental import pallas as pl
from jax.experimental.pallas import tpu as pltpu
from jax.experimental.pallas import tpu_sc as plsc

N_NODES = 10000
N_EDGES = 320000
E_ROWS = 2500
NP = 10240
NPT = 640
ROWS = 160
TAIL_ROWS = 100
LANES = 16


def _rsqrt16(x):
    i = lax.bitcast_convert_type(x, jnp.int32)
    i = 0x5F3759DF - lax.shift_right_arithmetic(i, 1)
    y = lax.bitcast_convert_type(i, jnp.float32)
    for _ in range(4):
        y = y * (1.5 - 0.5 * x * y * y)
    return y


def _tc_matvec(x_ref, w1_ref, w2_ref, wfc_ref, b1_ref, b2_ref, bfc_ref,
               z_ref, c_ref):
    wv = jnp.dot(w2_ref[...], wfc_ref[...], preferred_element_type=jnp.float32)
    w = jnp.dot(w1_ref[...], wv, preferred_element_type=jnp.float32)
    z_ref[...] = jnp.dot(x_ref[...], w, preferred_element_type=jnp.float32)
    c1 = jnp.sum(b1_ref[...] * wv[:, 0][None, :])
    c2 = jnp.sum(b2_ref[...] * wfc_ref[...][:, 0][None, :]) + bfc_ref[0, 0]
    lane = lax.broadcasted_iota(jnp.int32, (1, 128), 1)
    c_ref[...] = jnp.where(lane < LANES, c1, c2)


def _sc_body(src2d, dst2d, ew2d, z_hbm, consts, out_hbm,
             esrc, edst, eww, vals, ufull, dis, sbuf, tbuf, zbuf, cvec,
             shacc, shpub, sem_s):
    s = lax.axis_index("s")
    c = lax.axis_index("c")
    own = pl.ds(s * NPT, NPT)
    row0 = s * ROWS
    nrows = jnp.where(s < 15, ROWS, TAIL_ROWS)
    zero16 = jnp.zeros((LANES,), jnp.float32)

    @pl.when(s < 15)
    def _():
        pltpu.sync_copy(src2d.at[pl.ds(row0, ROWS)], esrc)
        pltpu.sync_copy(dst2d.at[pl.ds(row0, ROWS)], edst)
        pltpu.sync_copy(ew2d.at[pl.ds(row0, ROWS)], eww)

    @pl.when(s == 15)
    def _():
        pltpu.sync_copy(src2d.at[pl.ds(15 * ROWS, TAIL_ROWS)],
                        esrc.at[pl.ds(0, TAIL_ROWS)])
        pltpu.sync_copy(dst2d.at[pl.ds(15 * ROWS, TAIL_ROWS)],
                        edst.at[pl.ds(0, TAIL_ROWS)])
        pltpu.sync_copy(ew2d.at[pl.ds(15 * ROWS, TAIL_ROWS)],
                        eww.at[pl.ds(0, TAIL_ROWS)])

    @pl.when(s < 15)
    def _():
        pltpu.sync_copy(z_hbm.at[own], sbuf)

    @pl.when(s == 15)
    def _():
        pltpu.sync_copy(z_hbm.at[pl.ds(15 * NPT, N_NODES - 15 * NPT)],
                        sbuf.at[pl.ds(0, N_NODES - 15 * NPT)])
        for i in range(25, 40):
            sbuf[pl.ds(i * LANES, LANES)] = zero16

    pltpu.sync_copy(consts, cvec)

    def _zero(i, carry):
        zbuf[pl.ds(i * LANES, LANES)] = zero16
        return carry
    lax.fori_loop(0, NPT // LANES, _zero, 0)

    pltpu.sync_copy(zbuf, shacc.at[own])
    plsc.subcore_barrier()

    def _drain_pass():
        @pl.when(s < 15)
        def _():
            pltpu.make_async_copy(ew2d.at[pl.ds(0, ROWS)], vals, sem_s).wait()

        @pl.when(s == 15)
        def _():
            pltpu.make_async_copy(ew2d.at[pl.ds(0, TAIL_ROWS)],
                                  vals.at[pl.ds(0, TAIL_ROWS)], sem_s).wait()
        plsc.subcore_barrier()

    def _deg_row(j, carry):
        pltpu.async_copy(eww.at[j], shacc.at[edst.at[j]], sem_s, add=True)
        return carry
    lax.fori_loop(0, nrows, _deg_row, 0)
    _drain_pass()

    pltpu.sync_copy(shacc.at[own], tbuf)

    def _dis(i, carry):
        sl = pl.ds(i * LANES, LANES)
        d = _rsqrt16(tbuf[sl] + 1.0)
        dis[sl] = d
        sbuf[sl] = d * sbuf[sl]
        return carry
    lax.fori_loop(0, NPT // LANES, _dis, 0)
    pltpu.sync_copy(sbuf, shpub.at[own])
    pltpu.sync_copy(zbuf, shacc.at[own])
    plsc.subcore_barrier()
    pltpu.sync_copy(shpub, ufull)

    def _edge_pass(j, carry):
        for k in range(8):
            sl = pl.ds(k * LANES, LANES)
            vals[j, sl] = eww[j, sl] * plsc.load_gather(ufull, [esrc[j, sl]])
        pltpu.async_copy(vals.at[j], shacc.at[edst.at[j]], sem_s, add=True)
        return carry
    lax.fori_loop(0, nrows, _edge_pass, 0)
    _drain_pass()

    pltpu.sync_copy(shacc.at[own], tbuf)
    c1v = cvec[0, pl.ds(0, LANES)]

    def _fin1(i, carry):
        sl = pl.ds(i * LANES, LANES)
        d = dis[sl]
        sbuf[sl] = d * d * (tbuf[sl] + sbuf[sl]) + c1v * d
        return carry
    lax.fori_loop(0, NPT // LANES, _fin1, 0)
    pltpu.sync_copy(sbuf, shpub.at[own])
    pltpu.sync_copy(zbuf, shacc.at[own])
    plsc.subcore_barrier()
    pltpu.sync_copy(shpub, ufull)

    lax.fori_loop(0, nrows, _edge_pass, 0)
    _drain_pass()

    pltpu.sync_copy(shacc.at[own], tbuf)
    c2v = cvec[0, pl.ds(LANES, LANES)]

    def _fin2(i, carry):
        sl = pl.ds(i * LANES, LANES)
        t = dis[sl] * (tbuf[sl] + sbuf[sl]) + c2v
        sbuf[sl] = 10.0 / (1.0 + jnp.exp(-t))
        return carry
    lax.fori_loop(0, NPT // LANES, _fin2, 0)

    @pl.when(c == 0)
    def _():
        pltpu.sync_copy(sbuf, out_hbm.at[own])


_sc_agg = functools.partial(
    pl.kernel,
    out_type=jax.ShapeDtypeStruct((NP,), jnp.float32),
    mesh=plsc.VectorSubcoreMesh(core_axis_name="c", subcore_axis_name="s"),
    compiler_params=pltpu.CompilerParams(needs_layout_passes=False,
                                         use_tc_tiling_on_sc=False),
    scratch_types=[
        pltpu.VMEM((ROWS, 128), jnp.int32),
        pltpu.VMEM((ROWS, 128), jnp.int32),
        pltpu.VMEM((ROWS, 128), jnp.float32),
        pltpu.VMEM((ROWS, 128), jnp.float32),
        pltpu.VMEM((NP,), jnp.float32),
        pltpu.VMEM((NPT,), jnp.float32),
        pltpu.VMEM((NPT,), jnp.float32),
        pltpu.VMEM((NPT,), jnp.float32),
        pltpu.VMEM((NPT,), jnp.float32),
        pltpu.VMEM((1, 128), jnp.float32),
        pltpu.VMEM_SHARED((NP,), jnp.float32),
        pltpu.VMEM_SHARED((NP,), jnp.float32),
        pltpu.SemaphoreType.DMA,
    ],
)(_sc_body)


@jax.jit
def kernel(x, edge_index, edge_weight, W1, b1, W2, b2, Wfc, bfc):
    src2d = edge_index[0].astype(jnp.int32).reshape(E_ROWS, 128)
    dst2d = edge_index[1].astype(jnp.int32).reshape(E_ROWS, 128)
    ew2d = edge_weight.astype(jnp.float32).reshape(E_ROWS, 128)

    grid = 10
    rows_blk = N_NODES // grid
    z2d, cvec = pl.pallas_call(
        _tc_matvec,
        grid=(grid,),
        in_specs=[
            pl.BlockSpec((rows_blk, 128), lambda i: (i, 0)),
            pl.BlockSpec((128, 128), lambda i: (0, 0)),
            pl.BlockSpec((128, 128), lambda i: (0, 0)),
            pl.BlockSpec((128, 1), lambda i: (0, 0)),
            pl.BlockSpec((1, 128), lambda i: (0, 0)),
            pl.BlockSpec((1, 128), lambda i: (0, 0)),
            pl.BlockSpec((1, 1), lambda i: (0, 0)),
        ],
        out_specs=[
            pl.BlockSpec((rows_blk, 1), lambda i: (i, 0)),
            pl.BlockSpec((1, 128), lambda i: (0, 0)),
        ],
        out_shape=[
            jax.ShapeDtypeStruct((N_NODES, 1), jnp.float32),
            jax.ShapeDtypeStruct((1, 128), jnp.float32),
        ],
    )(x, W1, W2, Wfc, b1[None, :], b2[None, :], bfc[None, :])

    out_pad = _sc_agg(src2d, dst2d, ew2d, z2d[:, 0], cvec)
    return out_pad[:N_NODES, None]

# --- scband reference (transcript-rebuilt; emitter-appended) ---
"""Pipeline reference for scband-gcnmodel-72619307041204 (READ-ONLY COPY).

The authoritative reference and input builder live on the scoring server;
editing this copy changes nothing except your own understanding.
"""

import jax, jax.numpy as jnp
import numpy as np

N_NODES = 10000
N_EDGES = 320000
IN_DIM = 128
HID_DIM = 128
OUT_DIM = 10


def _gcn_conv(x, edge_index, edge_weight, W, b, num_nodes):
    # PyG GCNConv: add self-loops, symmetric normalization, linear transform, scatter-add aggregate
    src = edge_index[0]
    dst = edge_index[1]
    loop = jnp.arange(num_nodes, dtype=src.dtype)
    src_full = jnp.concatenate([src, loop])
    dst_full = jnp.concatenate([dst, loop])
    ew_full = jnp.concatenate([edge_weight, jnp.ones((num_nodes,), dtype=edge_weight.dtype)])
    deg = jax.ops.segment_sum(ew_full, dst_full, num_segments=num_nodes)
    deg_inv_sqrt = jnp.where(deg > 0, deg ** -0.5, 0.0)
    norm = deg_inv_sqrt[src_full] * ew_full * deg_inv_sqrt[dst_full]
    h = x @ W  # linear transform first
    msgs = jnp.take(h, src_full, axis=0) * norm[:, None]
    out = jax.ops.segment_sum(msgs, dst_full, num_segments=num_nodes)
    return out + b


def setup_inputs(seed: int = 0) -> dict:
    key = jax.random.key(seed)
    k = jax.random.split(key, 10)
    x = jax.random.normal(k[0], (N_NODES, IN_DIM), dtype=jnp.float32)
    edge_index = jax.random.randint(k[1], (2, N_EDGES), 0, N_NODES, dtype=jnp.int64)
    edge_weight = jax.random.uniform(k[2], (N_EDGES,), dtype=jnp.float32)
    s1 = 1.0 / np.sqrt(IN_DIM)
    s2 = 1.0 / np.sqrt(HID_DIM)
    W1 = jax.random.uniform(k[3], (IN_DIM, HID_DIM), minval=-s1, maxval=s1, dtype=jnp.float32)
    b1 = jnp.zeros((HID_DIM,), dtype=jnp.float32)
    W2 = jax.random.uniform(k[4], (HID_DIM, HID_DIM), minval=-s2, maxval=s2, dtype=jnp.float32)
    b2 = jnp.zeros((HID_DIM,), dtype=jnp.float32)
    Wfc = jax.random.uniform(k[5], (HID_DIM, 1), minval=-s2, maxval=s2, dtype=jnp.float32)
    bfc = jnp.zeros((1,), dtype=jnp.float32)
    return {"x": x, "edge_index": edge_index, "edge_weight": edge_weight,
            "W1": W1, "b1": b1, "W2": W2, "b2": b2, "Wfc": Wfc, "bfc": bfc}


def reference(x, edge_index, edge_weight, W1, b1, W2, b2, Wfc, bfc):
    h = _gcn_conv(x, edge_index, edge_weight, W1, b1, N_NODES)
    h = _gcn_conv(h, edge_index, edge_weight, W2, b2, N_NODES)
    out = h @ Wfc + bfc
    out = jax.nn.sigmoid(out) * OUT_DIM
    return out

if __name__ == "__main__":
    import jax
    _d = setup_inputs()
    print(jax.jit(kernel)(*tuple(_d.values())))

</pallas_src>

<mosaic_0001>
#map = affine_map<(d0, d1) -> (0, 0)>
#map1 = affine_map<(d0, d1) -> (0)>
module attributes {stable_mosaic.version = 14 : i64} {
  func.func @_sc_body(%arg0: i32, %arg1: i32, %arg2: memref<2500x128xi32, #tpu.memory_space<hbm>>, %arg3: memref<2500x128xi32, #tpu.memory_space<hbm>>, %arg4: memref<2500x128xf32, #tpu.memory_space<hbm>>, %arg5: memref<10000xf32, #tpu.memory_space<hbm>>, %arg6: memref<1x128xf32, #tpu.memory_space<hbm>>, %arg7: memref<10240xf32, #tpu.memory_space<hbm>>, %arg8: memref<160x128xi32, #tpu.memory_space<vmem>>, %arg9: memref<160x128xi32, #tpu.memory_space<vmem>>, %arg10: memref<160x128xf32, #tpu.memory_space<vmem>>, %arg11: memref<160x128xf32, #tpu.memory_space<vmem>>, %arg12: memref<10240xf32, #tpu.memory_space<vmem>>, %arg13: memref<640xf32, #tpu.memory_space<vmem>>, %arg14: memref<640xf32, #tpu.memory_space<vmem>>, %arg15: memref<640xf32, #tpu.memory_space<vmem>>, %arg16: memref<640xf32, #tpu.memory_space<vmem>>, %arg17: memref<1x128xf32, #tpu.memory_space<vmem>>, %arg18: memref<10240xf32, #tpu.memory_space<vmem_shared>>, %arg19: memref<10240xf32, #tpu.memory_space<vmem_shared>>, %arg20: memref<!tpu.dma_semaphore, #tpu.memory_space<semaphore_mem>>) attributes {dimension_semantics = [#tpu.dimension_semantics<core_parallel>, #tpu.dimension_semantics<subcore_parallel>], iteration_bounds = array<i64: 2, 16>, scalar_prefetch = 0 : i64, scratch_operands = 13 : i64, tpu.core_type = #tpu.core_type<sc_vector_subcore>, window_params = [{transform_indices = #map}, {transform_indices = #map}, {transform_indices = #map}, {transform_indices = #map1}, {transform_indices = #map}, {transform_indices = #map1}]} {
    %mul3A = arith.constant 640 : i32
    %mul3A_0 = arith.muli %arg1, %mul3A : i32
    %mul3A_1 = arith.constant 160 : i32
    %mul3A_2 = arith.muli %arg1, %mul3A_1 : i32
    %lt3A = arith.constant 15 : i32
    %lt3A_3 = arith.cmpi slt, %arg1, %lt3A : i32
    %jit3A = arith.constant 160 : i32
    %jit3A_4 = arith.constant 100 : i32
    %select_n3A = arith.select %lt3A_3, %jit3A, %jit3A_4 : i32
    %broadcast_in_dim3A = arith.constant 0.000000e+00 : f32
    %broadcast_in_dim3A_5 = vector.broadcast %broadcast_in_dim3A : f32 to vector<16xf32>
    %lt3A_6 = arith.constant 15 : i32
    %lt3A_7 = arith.cmpi slt, %arg1, %lt3A_6 : i32
    %convert_element_type3A = arith.extui %lt3A_7 : i1 to i32
    %cond3A = arith.constant 0 : i32
    %cond3A_8 = arith.cmpi ne, %convert_element_type3A, %cond3A : i32
    scf.if %cond3A_8 {
      "tpu.region"() ({
        %run_scoped3A = tpu.sem_alloc : memref<!tpu.dma_semaphore, #tpu.memory_space<semaphore_mem>>
        %dma_start3A = arith.constant 0 : i32
        %dma_start3A_122 = tpu.memref_slice %arg2[%mul3A_2, %dma_start3A] : memref<2500x128xi32, #tpu.memory_space<hbm>> -> memref<160x128xi32, #tpu.memory_space<hbm>>
        %dma_start3A_123 = arith.constant 0 : i32
        %dma_start3A_124 = tpu.memref_slice %arg2[%mul3A_2, %dma_start3A_123] : memref<2500x128xi32, #tpu.memory_space<hbm>> -> memref<160x128xi32, #tpu.memory_space<hbm>>
        tpu.enqueue_dma source(%dma_start3A_124 : memref<160x128xi32, #tpu.memory_space<hbm>>) target(%arg8 : memref<160x128xi32, #tpu.memory_space<vmem>>) target_semaphore(%run_scoped3A : memref<!tpu.dma_semaphore, #tpu.memory_space<semaphore_mem>>)
        %dma_wait3A = arith.constant 0 : i32
        %dma_wait3A_125 = tpu.memref_slice %arg2[%mul3A_2, %dma_wait3A] : memref<2500x128xi32, #tpu.memory_space<hbm>> -> memref<160x128xi32, #tpu.memory_space<hbm>>
        %dma_wait3A_126 = arith.constant 0 : i32
        %dma_wait3A_127 = tpu.memref_slice %arg2[%mul3A_2, %dma_wait3A_126] : memref<2500x128xi32, #tpu.memory_space<hbm>> -> memref<160x128xi32, #tpu.memory_space<hbm>>
        tpu.wait_dma2 semaphore(%run_scoped3A : memref<!tpu.dma_semaphore, #tpu.memory_space<semaphore_mem>>) src(%dma_wait3A_127 : memref<160x128xi32, #tpu.memory_space<hbm>>) dst(%arg8 : memref<160x128xi32, #tpu.memory_space<vmem>>)
        tpu.yield
      }) : () -> ()
      "tpu.region"() ({
        %run_scoped3A = tpu.sem_alloc : memref<!tpu.dma_semaphore, #tpu.memory_space<semaphore_mem>>
        %dma_start3A = arith.constant 0 : i32
        %dma_start3A_122 = tpu.memref_slice %arg3[%mul3A_2, %dma_start3A] : memref<2500x128xi32, #tpu.memory_space<hbm>> -> memref<160x128xi32, #tpu.memory_space<hbm>>
        %dma_start3A_123 = arith.constant 0 : i32
        %dma_start3A_124 = tpu.memref_slice %arg3[%mul3A_2, %dma_start3A_123] : memref<2500x128xi32, #tpu.memory_space<hbm>> -> memref<160x128xi32, #tpu.memory_space<hbm>>
        tpu.enqueue_dma source(%dma_start3A_124 : memref<160x128xi32, #tpu.memory_space<hbm>>) target(%arg9 : memref<160x128xi32, #tpu.memory_space<vmem>>) target_semaphore(%run_scoped3A : memref<!tpu.dma_semaphore, #tpu.memory_space<semaphore_mem>>)
        %dma_wait3A = arith.constant 0 : i32
        %dma_wait3A_125 = tpu.memref_slice %arg3[%mul3A_2, %dma_wait3A] : memref<2500x128xi32, #tpu.memory_space<hbm>> -> memref<160x128xi32, #tpu.memory_space<hbm>>
        %dma_wait3A_126 = arith.constant 0 : i32
        %dma_wait3A_127 = tpu.memref_slice %arg3[%mul3A_2, %dma_wait3A_126] : memref<2500x128xi32, #tpu.memory_space<hbm>> -> memref<160x128xi32, #tpu.memory_space<hbm>>
        tpu.wait_dma2 semaphore(%run_scoped3A : memref<!tpu.dma_semaphore, #tpu.memory_space<semaphore_mem>>) src(%dma_wait3A_127 : memref<160x128xi32, #tpu.memory_space<hbm>>) dst(%arg9 : memref<160x128xi32, #tpu.memory_space<vmem>>)
        tpu.yield
      }) : () -> ()
      "tpu.region"() ({
        %run_scoped3A = tpu.sem_alloc : memref<!tpu.dma_semaphore, #tpu.memory_space<semaphore_mem>>
        %dma_start3A = arith.constant 0 : i32
        %dma_start3A_122 = tpu.memref_slice %arg4[%mul3A_2, %dma_start3A] : memref<2500x128xf32, #tpu.memory_space<hbm>> -> memref<160x128xf32, #tpu.memory_space<hbm>>
        %dma_start3A_123 = arith.constant 0 : i32
        %dma_start3A_124 = tpu.memref_slice %arg4[%mul3A_2, %dma_start3A_123] : memref<2500x128xf32, #tpu.memory_space<hbm>> -> memref<160x128xf32, #tpu.memory_space<hbm>>
        tpu.enqueue_dma source(%dma_start3A_124 : memref<160x128xf32, #tpu.memory_space<hbm>>) target(%arg10 : memref<160x128xf32, #tpu.memory_space<vmem>>) target_semaphore(%run_scoped3A : memref<!tpu.dma_semaphore, #tpu.memory_space<semaphore_mem>>)
        %dma_wait3A = arith.constant 0 : i32
        %dma_wait3A_125 = tpu.memref_slice %arg4[%mul3A_2, %dma_wait3A] : memref<2500x128xf32, #tpu.memory_space<hbm>> -> memref<160x128xf32, #tpu.memory_space<hbm>>
        %dma_wait3A_126 = arith.constant 0 : i32
        %dma_wait3A_127 = tpu.memref_slice %arg4[%mul3A_2, %dma_wait3A_126] : memref<2500x128xf32, #tpu.memory_space<hbm>> -> memref<160x128xf32, #tpu.memory_space<hbm>>
        tpu.wait_dma2 semaphore(%run_scoped3A : memref<!tpu.dma_semaphore, #tpu.memory_space<semaphore_mem>>) src(%dma_wait3A_127 : memref<160x128xf32, #tpu.memory_space<hbm>>) dst(%arg10 : memref<160x128xf32, #tpu.memory_space<vmem>>)
        tpu.yield
      }) : () -> ()
    } else {
    }
    %eq3A = arith.constant 15 : i32
    %eq3A_9 = arith.cmpi eq, %arg1, %eq3A : i32
    %convert_element_type3A_10 = arith.extui %eq3A_9 : i1 to i32
    %cond3A_11 = arith.constant 0 : i32
    %cond3A_12 = arith.cmpi ne, %convert_element_type3A_10, %cond3A_11 : i32
    scf.if %cond3A_12 {
      "tpu.region"() ({
        %run_scoped3A = tpu.sem_alloc : memref<!tpu.dma_semaphore, #tpu.memory_space<semaphore_mem>>
        %dma_start3A = arith.constant 0 : i32
        %dma_start3A_122 = arith.constant 0 : i32
        %dma_start3A_123 = tpu.memref_slice %arg8[%dma_start3A, %dma_start3A_122] : memref<160x128xi32, #tpu.memory_space<vmem>> -> memref<100x128xi32, #tpu.memory_space<vmem>>
        %dma_start3A_124 = arith.constant 2400 : i32
        %dma_start3A_125 = arith.constant 0 : i32
        %dma_start3A_126 = tpu.memref_slice %arg2[%dma_start3A_124, %dma_start3A_125] : memref<2500x128xi32, #tpu.memory_space<hbm>> -> memref<100x128xi32, #tpu.memory_space<hbm>>
        %dma_start3A_127 = arith.constant 0 : i32
        %dma_start3A_128 = arith.constant 0 : i32
        %dma_start3A_129 = tpu.memref_slice %arg8[%dma_start3A_127, %dma_start3A_128] : memref<160x128xi32, #tpu.memory_space<vmem>> -> memref<100x128xi32, #tpu.memory_space<vmem>>
        %dma_start3A_130 = arith.constant 2400 : i32
        %dma_start3A_131 = arith.constant 0 : i32
        %dma_start3A_132 = tpu.memref_slice %arg2[%dma_start3A_130, %dma_start3A_131] : memref<2500x128xi32, #tpu.memory_space<hbm>> -> memref<100x128xi32, #tpu.memory_space<hbm>>
        tpu.enqueue_dma source(%dma_start3A_132 : memref<100x128xi32, #tpu.memory_space<hbm>>) target(%dma_start3A_129 : memref<100x128xi32, #tpu.memory_space<vmem>>) target_semaphore(%run_scoped3A : memref<!tpu.dma_semaphore, #tpu.memory_space<semaphore_mem>>)
        %dma_wait3A = arith.constant 0 : i32
        %dma_wait3A_133 = arith.constant 0 : i32
        %dma_wait3A_134 = tpu.memref_slice %arg8[%dma_wait3A, %dma_wait3A_133] : memref<160x128xi32, #tpu.memory_space<vmem>> -> memref<100x128xi32, #tpu.memory_space<vmem>>
        %dma_wait3A_135 = arith.constant 2400 : i32
        %dma_wait3A_136 = arith.constant 0 : i32
        %dma_wait3A_137 = tpu.memref_slice %arg2[%dma_wait3A_135, %dma_wait3A_136] : memref<2500x128xi32, #tpu.memory_space<hbm>> -> memref<100x128xi32, #tpu.memory_space<hbm>>
        %dma_wait3A_138 = arith.constant 0 : i32
        %dma_wait3A_139 = arith.constant 0 : i32
        %dma_wait3A_140 = tpu.memref_slice %arg8[%dma_wait3A_138, %dma_wait3A_139] : memref<160x128xi32, #tpu.memory_space<vmem>> -> memref<100x128xi32, #tpu.memory_space<vmem>>
        %dma_wait3A_141 = arith.constant 2400 : i32
        %dma_wait3A_142 = arith.constant 0 : i32
        %dma_wait3A_143 = tpu.memref_slice %arg2[%dma_wait3A_141, %dma_wait3A_142] : memref<2500x128xi32, #tpu.memory_space<hbm>> -> memref<100x128xi32, #tpu.memory_space<hbm>>
        tpu.wait_dma2 semaphore(%run_scoped3A : memref<!tpu.dma_semaphore, #tpu.memory_space<semaphore_mem>>) src(%dma_wait3A_143 : memref<100x128xi32, #tpu.memory_space<hbm>>) dst(%dma_wait3A_140 : memref<100x128xi32, #tpu.memory_space<vmem>>)
        tpu.yield
      }) : () -> ()
      "tpu.region"() ({
        %run_scoped3A = tpu.sem_alloc : memref<!tpu.dma_semaphore, #tpu.memory_space<semaphore_mem>>
        %dma_start3A = arith.constant 0 : i32
        %dma_start3A_122 = arith.constant 0 : i32
        %dma_start3A_123 = tpu.memref_slice %arg9[%dma_start3A, %dma_start3A_122] : memref<160x128xi32, #tpu.memory_space<vmem>> -> memref<100x128xi32, #tpu.memory_space<vmem>>
        %dma_start3A_124 = arith.constant 2400 : i32
        %dma_start3A_125 = arith.constant 0 : i32
        %dma_start3A_126 = tpu.memref_slice %arg3[%dma_start3A_124, %dma_start3A_125] : memref<2500x128xi32, #tpu.memory_space<hbm>> -> memref<100x128xi32, #tpu.memory_space<hbm>>
        %dma_start3A_127 = arith.constant 0 : i32
        %dma_start3A_128 = arith.constant 0 : i32
        %dma_start3A_129 = tpu.memref_slice %arg9[%dma_start3A_127, %dma_start3A_128] : memref<160x128xi32, #tpu.memory_space<vmem>> -> memref<100x128xi32, #tpu.memory_space<vmem>>
        %dma_start3A_130 = arith.constant 2400 : i32
        %dma_start3A_131 = arith.constant 0 : i32
        %dma_start3A_132 = tpu.memref_slice %arg3[%dma_start3A_130, %dma_start3A_131] : memref<2500x128xi32, #tpu.memory_space<hbm>> -> memref<100x128xi32, #tpu.memory_space<hbm>>
        tpu.enqueue_dma source(%dma_start3A_132 : memref<100x128xi32, #tpu.memory_space<hbm>>) target(%dma_start3A_129 : memref<100x128xi32, #tpu.memory_space<vmem>>) target_semaphore(%run_scoped3A : memref<!tpu.dma_semaphore, #tpu.memory_space<semaphore_mem>>)
        %dma_wait3A = arith.constant 0 : i32
        %dma_wait3A_133 = arith.constant 0 : i32
        %dma_wait3A_134 = tpu.memref_slice %arg9[%dma_wait3A, %dma_wait3A_133] : memref<160x128xi32, #tpu.memory_space<vmem>> -> memref<100x128xi32, #tpu.memory_space<vmem>>
        %dma_wait3A_135 = arith.constant 2400 : i32
        %dma_wait3A_136 = arith.constant 0 : i32
        %dma_wait3A_137 = tpu.memref_slice %arg3[%dma_wait3A_135, %dma_wait3A_136] : memref<2500x128xi32, #tpu.memory_space<hbm>> -> memref<100x128xi32, #tpu.memory_space<hbm>>
        %dma_wait3A_138 = arith.constant 0 : i32
        %dma_wait3A_139 = arith.constant 0 : i32
        %dma_wait3A_140 = tpu.memref_slice %arg9[%dma_wait3A_138, %dma_wait3A_139] : memref<160x128xi32, #tpu.memory_space<vmem>> -> memref<100x128xi32, #tpu.memory_space<vmem>>
        %dma_wait3A_141 = arith.constant 2400 : i32
        %dma_wait3A_142 = arith.constant 0 : i32
        %dma_wait3A_143 = tpu.memref_slice %arg3[%dma_wait3A_141, %dma_wait3A_142] : memref<2500x128xi32, #tpu.memory_space<hbm>> -> memref<100x128xi32, #tpu.memory_space<hbm>>
        tpu.wait_dma2 semaphore(%run_scoped3A : memref<!tpu.dma_semaphore, #tpu.memory_space<semaphore_mem>>) src(%dma_wait3A_143 : memref<100x128xi32, #tpu.memory_space<hbm>>) dst(%dma_wait3A_140 : memref<100x128xi32, #tpu.memory_space<vmem>>)
        tpu.yield
      }) : () -> ()
      "tpu.region"() ({
        %run_scoped3A = tpu.sem_alloc : memref<!tpu.dma_semaphore, #tpu.memory_space<semaphore_mem>>
        %dma_start3A = arith.constant 0 : i32
        %dma_start3A_122 = arith.constant 0 : i32
        %dma_start3A_123 = tpu.memref_slice %arg10[%dma_start3A, %dma_start3A_122] : memref<160x128xf32, #tpu.memory_space<vmem>> -> memref<100x128xf32, #tpu.memory_space<vmem>>
        %dma_start3A_124 = arith.constant 2400 : i32
        %dma_start3A_125 = arith.constant 0 : i32
        %dma_start3A_126 = tpu.memref_slice %arg4[%dma_start3A_124, %dma_start3A_125] : memref<2500x128xf32, #tpu.memory_space<hbm>> -> memref<100x128xf32, #tpu.memory_space<hbm>>
        %dma_start3A_127 = arith.constant 0 : i32
        %dma_start3A_128 = arith.constant 0 : i32
        %dma_start3A_129 = tpu.memref_slice %arg10[%dma_start3A_127, %dma_start3A_128] : memref<160x128xf32, #tpu.memory_space<vmem>> -> memref<100x128xf32, #tpu.memory_space<vmem>>
        %dma_start3A_130 = arith.constant 2400 : i32
        %dma_start3A_131 = arith.constant 0 : i32
        %dma_start3A_132 = tpu.memref_slice %arg4[%dma_start3A_130, %dma_start3A_131] : memref<2500x128xf32, #tpu.memory_space<hbm>> -> memref<100x128xf32, #tpu.memory_space<hbm>>
        tpu.enqueue_dma source(%dma_start3A_132 : memref<100x128xf32, #tpu.memory_space<hbm>>) target(%dma_start3A_129 : memref<100x128xf32, #tpu.memory_space<vmem>>) target_semaphore(%run_scoped3A : memref<!tpu.dma_semaphore, #tpu.memory_space<semaphore_mem>>)
        %dma_wait3A = arith.constant 0 : i32
        %dma_wait3A_133 = arith.constant 0 : i32
        %dma_wait3A_134 = tpu.memref_slice %arg10[%dma_wait3A, %dma_wait3A_133] : memref<160x128xf32, #tpu.memory_space<vmem>> -> memref<100x128xf32, #tpu.memory_space<vmem>>
        %dma_wait3A_135 = arith.constant 2400 : i32
        %dma_wait3A_136 = arith.constant 0 : i32
        %dma_wait3A_137 = tpu.memref_slice %arg4[%dma_wait3A_135, %dma_wait3A_136] : memref<2500x128xf32, #tpu.memory_space<hbm>> -> memref<100x128xf32, #tpu.memory_space<hbm>>
        %dma_wait3A_138 = arith.constant 0 : i32
        %dma_wait3A_139 = arith.constant 0 : i32
        %dma_wait3A_140 = tpu.memref_slice %arg10[%dma_wait3A_138, %dma_wait3A_139] : memref<160x128xf32, #tpu.memory_space<vmem>> -> memref<100x128xf32, #tpu.memory_space<vmem>>
        %dma_wait3A_141 = arith.constant 2400 : i32
        %dma_wait3A_142 = arith.constant 0 : i32
        %dma_wait3A_143 = tpu.memref_slice %arg4[%dma_wait3A_141, %dma_wait3A_142] : memref<2500x128xf32, #tpu.memory_space<hbm>> -> memref<100x128xf32, #tpu.memory_space<hbm>>
        tpu.wait_dma2 semaphore(%run_scoped3A : memref<!tpu.dma_semaphore, #tpu.memory_space<semaphore_mem>>) src(%dma_wait3A_143 : memref<100x128xf32, #tpu.memory_space<hbm>>) dst(%dma_wait3A_140 : memref<100x128xf32, #tpu.memory_space<vmem>>)
        tpu.yield
      }) : () -> ()
    } else {
    }
    %lt3A_13 = arith.constant 15 : i32
    %lt3A_14 = arith.cmpi slt, %arg1, %lt3A_13 : i32
    %convert_element_type3A_15 = arith.extui %lt3A_14 : i1 to i32
    %cond3A_16 = arith.constant 0 : i32
    %cond3A_17 = arith.cmpi ne, %convert_element_type3A_15, %cond3A_16 : i32
    scf.if %cond3A_17 {
      "tpu.region"() ({
        %run_scoped3A = tpu.sem_alloc : memref<!tpu.dma_semaphore, #tpu.memory_space<semaphore_mem>>
        %dma_start3A = tpu.memref_slice %arg5[%mul3A_0] : memref<10000xf32, #tpu.memory_space<hbm>> -> memref<640xf32, #tpu.memory_space<hbm>>
        %dma_start3A_122 = tpu.memref_slice %arg5[%mul3A_0] : memref<10000xf32, #tpu.memory_space<hbm>> -> memref<640xf32, #tpu.memory_space<hbm>>
        tpu.enqueue_dma source(%dma_start3A_122 : memref<640xf32, #tpu.memory_space<hbm>>) target(%arg14 : memref<640xf32, #tpu.memory_space<vmem>>) target_semaphore(%run_scoped3A : memref<!tpu.dma_semaphore, #tpu.memory_space<semaphore_mem>>)
        %dma_wait3A = tpu.memref_slice %arg5[%mul3A_0] : memref<10000xf32, #tpu.memory_space<hbm>> -> memref<640xf32, #tpu.memory_space<hbm>>
        %dma_wait3A_123 = tpu.memref_slice %arg5[%mul3A_0] : memref<10000xf32, #tpu.memory_space<hbm>> -> memref<640xf32, #tpu.memory_space<hbm>>
        tpu.wait_dma2 semaphore(%run_scoped3A : memref<!tpu.dma_semaphore, #tpu.memory_space<semaphore_mem>>) src(%dma_wait3A_123 : memref<640xf32, #tpu.memory_space<hbm>>) dst(%arg14 : memref<640xf32, #tpu.memory_space<vmem>>)
        tpu.yield
      }) : () -> ()
    } else {
    }
    %eq3A_18 = arith.constant 15 : i32
    %eq3A_19 = arith.cmpi eq, %arg1, %eq3A_18 : i32
    %convert_element_type3A_20 = arith.extui %eq3A_19 : i1 to i32
    %cond3A_21 = arith.constant 0 : i32
    %cond3A_22 = arith.cmpi ne, %convert_element_type3A_20, %cond3A_21 : i32
    scf.if %cond3A_22 {
      "tpu.region"() ({
        %run_scoped3A = tpu.sem_alloc : memref<!tpu.dma_semaphore, #tpu.memory_space<semaphore_mem>>
        %dma_start3A = arith.constant 0 : i32
        %dma_start3A_151 = tpu.memref_slice %arg14[%dma_start3A] : memref<640xf32, #tpu.memory_space<vmem>> -> memref<400xf32, #tpu.memory_space<vmem>>
        %dma_start3A_152 = arith.constant 9600 : i32
        %dma_start3A_153 = tpu.memref_slice %arg5[%dma_start3A_152] : memref<10000xf32, #tpu.memory_space<hbm>> -> memref<400xf32, #tpu.memory_space<hbm>>
        %dma_start3A_154 = arith.constant 0 : i32
        %dma_start3A_155 = tpu.memref_slice %arg14[%dma_start3A_154] : memref<640xf32, #tpu.memory_space<vmem>> -> memref<400xf32, #tpu.memory_space<vmem>>
        %dma_start3A_156 = arith.constant 9600 : i32
        %dma_start3A_157 = tpu.memref_slice %arg5[%dma_start3A_156] : memref<10000xf32, #tpu.memory_space<hbm>> -> memref<400xf32, #tpu.memory_space<hbm>>
        tpu.enqueue_dma source(%dma_start3A_157 : memref<400xf32, #tpu.memory_space<hbm>>) target(%dma_start3A_155 : memref<400xf32, #tpu.memory_space<vmem>>) target_semaphore(%run_scoped3A : memref<!tpu.dma_semaphore, #tpu.memory_space<semaphore_mem>>)
        %dma_wait3A = arith.constant 0 : i32
        %dma_wait3A_158 = tpu.memref_slice %arg14[%dma_wait3A] : memref<640xf32, #tpu.memory_space<vmem>> -> memref<400xf32, #tpu.memory_space<vmem>>
        %dma_wait3A_159 = arith.constant 9600 : i32
        %dma_wait3A_160 = tpu.memref_slice %arg5[%dma_wait3A_159] : memref<10000xf32, #tpu.memory_space<hbm>> -> memref<400xf32, #tpu.memory_space<hbm>>
        %dma_wait3A_161 = arith.constant 0 : i32
        %dma_wait3A_162 = tpu.memref_slice %arg14[%dma_wait3A_161] : memref<640xf32, #tpu.memory_space<vmem>> -> memref<400xf32, #tpu.memory_space<vmem>>
        %dma_wait3A_163 = arith.constant 9600 : i32
        %dma_wait3A_164 = tpu.memref_slice %arg5[%dma_wait3A_163] : memref<10000xf32, #tpu.memory_space<hbm>> -> memref<400xf32, #tpu.memory_space<hbm>>
        tpu.wait_dma2 semaphore(%run_scoped3A : memref<!tpu.dma_semaphore, #tpu.memory_space<semaphore_mem>>) src(%dma_wait3A_164 : memref<400xf32, #tpu.memory_space<hbm>>) dst(%dma_wait3A_162 : memref<400xf32, #tpu.memory_space<vmem>>)
        tpu.yield
      }) : () -> ()
      %swap3A = arith.constant 400 : index
      %swap3A_122 = tpu.vector_load %arg14[%swap3A] {strides = array<i32>} : memref<640xf32, #tpu.memory_space<vmem>>, vector<16xf32>,
      tpu.vector_store %arg14[%swap3A], %broadcast_in_dim3A_5 {strides = array<i32>} : memref<640xf32, #tpu.memory_space<vmem>>, vector<16xf32>,
      %swap3A_123 = arith.constant 416 : index
      %swap3A_124 = tpu.vector_load %arg14[%swap3A_123] {strides = array<i32>} : memref<640xf32, #tpu.memory_space<vmem>>, vector<16xf32>,
      tpu.vector_store %arg14[%swap3A_123], %broadcast_in_dim3A_5 {strides = array<i32>} : memref<640xf32, #tpu.memory_space<vmem>>, vector<16xf32>,
      %swap3A_125 = arith.constant 432 : index
      %swap3A_126 = tpu.vector_load %arg14[%swap3A_125] {strides = array<i32>} : memref<640xf32, #tpu.memory_space<vmem>>, vector<16xf32>,
      tpu.vector_store %arg14[%swap3A_125], %broadcast_in_dim3A_5 {strides = array<i32>} : memref<640xf32, #tpu.memory_space<vmem>>, vector<16xf32>,
      %swap3A_127 = arith.constant 448 : index
      %swap3A_128 = tpu.vector_load %arg14[%swap3A_127] {strides = array<i32>} : memref<640xf32, #tpu.memory_space<vmem>>, vector<16xf32>,
      tpu.vector_store %arg14[%swap3A_127], %broadcast_in_dim3A_5 {strides = array<i32>} : memref<640xf32, #tpu.memory_space<vmem>>, vector<16xf32>,
      %swap3A_129 = arith.constant 464 : index
      %swap3A_130 = tpu.vector_load %arg14[%swap3A_129] {strides = array<i32>} : memref<640xf32, #tpu.memory_space<vmem>>, vector<16xf32>,
      tpu.vector_store %arg14[%swap3A_129], %broadcast_in_dim3A_5 {strides = array<i32>} : memref<640xf32, #tpu.memory_space<vmem>>, vector<16xf32>,
      %swap3A_131 = arith.constant 480 : index
      %swap3A_132 = tpu.vector_load %arg14[%swap3A_131] {strides = array<i32>} : memref<640xf32, #tpu.memory_space<vmem>>, vector<16xf32>,
      tpu.vector_store %arg14[%swap3A_131], %broadcast_in_dim3A_5 {strides = array<i32>} : memref<640xf32, #tpu.memory_space<vmem>>, vector<16xf32>,
      %swap3A_133 = arith.constant 496 : index
      %swap3A_134 = tpu.vector_load %arg14[%swap3A_133] {strides = array<i32>} : memref<640xf32, #tpu.memory_space<vmem>>, vector<16xf32>,
      tpu.vector_store %arg14[%swap3A_133], %broadcast_in_dim3A_5 {strides = array<i32>} : memref<640xf32, #tpu.memory_space<vmem>>, vector<16xf32>,
      %swap3A_135 = arith.constant 512 : index
      %swap3A_136 = tpu.vector_load %arg14[%swap3A_135] {strides = array<i32>} : memref<640xf32, #tpu.memory_space<vmem>>, vector<16xf32>,
      tpu.vector_store %arg14[%swap3A_135], %broadcast_in_dim3A_5 {strides = array<i32>} : memref<640xf32, #tpu.memory_space<vmem>>, vector<16xf32>,
      %swap3A_137 = arith.constant 528 : index
      %swap3A_138 = tpu.vector_load %arg14[%swap3A_137] {strides = array<i32>} : memref<640xf32, #tpu.memory_space<vmem>>, vector<16xf32>,
      tpu.vector_store %arg14[%swap3A_137], %broadcast_in_dim3A_5 {strides = array<i32>} : memref<640xf32, #tpu.memory_space<vmem>>, vector<16xf32>,
      %swap3A_139 = arith.constant 544 : index
      %swap3A_140 = tpu.vector_load %arg14[%swap3A_139] {strides = array<i32>} : memref<640xf32, #tpu.memory_space<vmem>>, vector<16xf32>,
      tpu.vector_store %arg14[%swap3A_139], %broadcast_in_dim3A_5 {strides = array<i32>} : memref<640xf32, #tpu.memory_space<vmem>>, vector<16xf32>,
      %swap3A_141 = arith.constant 560 : index
      %swap3A_142 = tpu.vector_load %arg14[%swap3A_141] {strides = array<i32>} : memref<640xf32, #tpu.memory_space<vmem>>, vector<16xf32>,
      tpu.vector_store %arg14[%swap3A_141], %broadcast_in_dim3A_5 {strides = array<i32>} : memref<640xf32, #tpu.memory_space<vmem>>, vector<16xf32>,
      %swap3A_143 = arith.constant 576 : index
      %swap3A_144 = tpu.vector_load %arg14[%swap3A_143] {strides = array<i32>} : memref<640xf32, #tpu.memory_space<vmem>>, vector<16xf32>,
      tpu.vector_store %arg14[%swap3A_143], %broadcast_in_dim3A_5 {strides = array<i32>} : memref<640xf32, #tpu.memory_space<vmem>>, vector<16xf32>,
      %swap3A_145 = arith.constant 592 : index
      %swap3A_146 = tpu.vector_load %arg14[%swap3A_145] {strides = array<i32>} : memref<640xf32, #tpu.memory_space<vmem>>, vector<16xf32>,
      tpu.vector_store %arg14[%swap3A_145], %broadcast_in_dim3A_5 {strides = array<i32>} : memref<640xf32, #tpu.memory_space<vmem>>, vector<16xf32>,
      %swap3A_147 = arith.constant 608 : index
      %swap3A_148 = tpu.vector_load %arg14[%swap3A_147] {strides = array<i32>} : memref<640xf32, #tpu.memory_space<vmem>>, vector<16xf32>,
      tpu.vector_store %arg14[%swap3A_147], %broadcast_in_dim3A_5 {strides = array<i32>} : memref<640xf32, #tpu.memory_space<vmem>>, vector<16xf32>,
      %swap3A_149 = arith.constant 624 : index
      %swap3A_150 = tpu.vector_load %arg14[%swap3A_149] {strides = array<i32>} : memref<640xf32, #tpu.memory_space<vmem>>, vector<16xf32>,
      tpu.vector_store %arg14[%swap3A_149], %broadcast_in_dim3A_5 {strides = array<i32>} : memref<640xf32, #tpu.memory_space<vmem>>, vector<16xf32>,
    } else {
    }
    "tpu.region"() ({
      %run_scoped3A = tpu.sem_alloc : memref<!tpu.dma_semaphore, #tpu.memory_space<semaphore_mem>>
      tpu.enqueue_dma source(%arg6 : memref<1x128xf32, #tpu.memory_space<hbm>>) target(%arg17 : memref<1x128xf32, #tpu.memory_space<vmem>>) target_semaphore(%run_scoped3A : memref<!tpu.dma_semaphore, #tpu.memory_space<semaphore_mem>>)
      tpu.wait_dma2 semaphore(%run_scoped3A : memref<!tpu.dma_semaphore, #tpu.memory_space<semaphore_mem>>) src(%arg6 : memref<1x128xf32, #tpu.memory_space<hbm>>) dst(%arg17 : memref<1x128xf32, #tpu.memory_space<vmem>>)
      tpu.yield
    }) : () -> ()
    %scan3A = arith.constant 0 : i32
    %scan3A_23 = arith.constant 0 : i32
    %scan3A_24 = arith.constant 40 : i32
    %scan3A_25 = arith.addi %scan3A_23, %scan3A_24 : i32
    %scan3A_26 = arith.constant 1 : i32
    scf.for %scan3A_122 = %scan3A_23 to %scan3A_25 step %scan3A_26  : i32 {
      %mul3A_123 = arith.constant 16 : i32
      %mul3A_124 = arith.muli %scan3A_122, %mul3A_123 : i32
      %swap3A = arith.index_cast %mul3A_124 : i32 to index
      %swap3A_125 = tpu.vector_load %arg16[%swap3A] {strides = array<i32>} : memref<640xf32, #tpu.memory_space<vmem>>, vector<16xf32>,
      tpu.vector_store %arg16[%swap3A], %broadcast_in_dim3A_5 {strides = array<i32>} : memref<640xf32, #tpu.memory_space<vmem>>, vector<16xf32>,
    }
    %scan3A_27 = arith.constant 40 : i32
    "tpu.region"() ({
      %run_scoped3A = tpu.sem_alloc : memref<!tpu.dma_semaphore, #tpu.memory_space<semaphore_mem>>
      %dma_start3A = tpu.memref_slice %arg18[%mul3A_0] : memref<10240xf32, #tpu.memory_space<vmem_shared>> -> memref<640xf32, #tpu.memory_space<vmem_shared>>
      %dma_start3A_122 = tpu.memref_slice %arg18[%mul3A_0] : memref<10240xf32, #tpu.memory_space<vmem_shared>> -> memref<640xf32, #tpu.memory_space<vmem_shared>>
      tpu.enqueue_dma source(%arg16 : memref<640xf32, #tpu.memory_space<vmem>>) target(%dma_start3A_122 : memref<640xf32, #tpu.memory_space<vmem_shared>>) target_semaphore(%run_scoped3A : memref<!tpu.dma_semaphore, #tpu.memory_space<semaphore_mem>>)
      %dma_wait3A = tpu.memref_slice %arg18[%mul3A_0] : memref<10240xf32, #tpu.memory_space<vmem_shared>> -> memref<640xf32, #tpu.memory_space<vmem_shared>>
      %dma_wait3A_123 = tpu.memref_slice %arg18[%mul3A_0] : memref<10240xf32, #tpu.memory_space<vmem_shared>> -> memref<640xf32, #tpu.memory_space<vmem_shared>>
      tpu.wait_dma2 semaphore(%run_scoped3A : memref<!tpu.dma_semaphore, #tpu.memory_space<semaphore_mem>>) src(%arg16 : memref<640xf32, #tpu.memory_space<vmem>>) dst(%dma_wait3A_123 : memref<640xf32, #tpu.memory_space<vmem_shared>>)
      tpu.yield
    }) : () -> ()
    %barrier3A = arith.constant 0 : index
    tpu.barrier barrier_id(%barrier3A)
    %while3A = arith.constant 0 : i32
    %while3A_28 = arith.constant 0 : i32
    %while3A_29 = arith.subi %select_n3A, %while3A_28 : i32
    %while3A_30 = arith.addi %while3A_28, %while3A_29 : i32
    %while3A_31 = arith.constant 1 : i32
    %while3A_32 = arith.divsi %while3A_29, %while3A_31 : i32
    %while3A_33 = arith.muli %while3A_32, %while3A_31 : i32
    %while3A_34 = arith.addi %while3A_28, %while3A_33 : i32
    %while3A_35 = arith.constant 1 : i32
    scf.for %while3A_122 = %while3A_28 to %while3A_34 step %while3A_35  : i32 {
      %dma_start3A = arith.constant 0 : i32
      %dma_start3A_123 = tpu.memref_slice %arg10[%while3A_122, %dma_start3A] : memref<160x128xf32, #tpu.memory_space<vmem>> -> memref<1x128xf32, #tpu.memory_space<vmem>>
      %dma_start3A_124 = tpu.memref_squeeze %dma_start3A_123 : memref<1x128xf32, #tpu.memory_space<vmem>> -> memref<128xf32, #tpu.memory_space<vmem>>
      %dma_start3A_125 = arith.constant 0 : i32
      %dma_start3A_126 = tpu.memref_slice %arg9[%while3A_122, %dma_start3A_125] : memref<160x128xi32, #tpu.memory_space<vmem>> -> memref<1x128xi32, #tpu.memory_space<vmem>>
      %dma_start3A_127 = tpu.memref_squeeze %dma_start3A_126 : memref<1x128xi32, #tpu.memory_space<vmem>> -> memref<128xi32, #tpu.memory_space<vmem>>
      %dma_start3A_128 = arith.constant 0 : i32
      %dma_start3A_129 = tpu.memref_slice %arg18[%dma_start3A_128] : memref<10240xf32, #tpu.memory_space<vmem_shared>> -> memref<10240xf32, #tpu.memory_space<vmem_shared>>
      tpu.enqueue_indirect_dma source(%dma_start3A_124 : memref<128xf32, #tpu.memory_space<vmem>>) target(%dma_start3A_129 : memref<10240xf32, #tpu.memory_space<vmem_shared>>) offsets(%dma_start3A_127 : memref<128xi32, #tpu.memory_space<vmem>>) semaphore(%arg20 : memref<!tpu.dma_semaphore, #tpu.memory_space<semaphore_mem>>) {add = true}
    }
    %while3A_36 = arith.constant 1 : i32
    scf.for %while3A_122 = %while3A_34 to %while3A_30 step %while3A_36  : i32 {
      %dma_start3A = arith.constant 0 : i32
      %dma_start3A_123 = tpu.memref_slice %arg10[%while3A_122, %dma_start3A] : memref<160x128xf32, #tpu.memory_space<vmem>> -> memref<1x128xf32, #tpu.memory_space<vmem>>
      %dma_start3A_124 = tpu.memref_squeeze %dma_start3A_123 : memref<1x128xf32, #tpu.memory_space<vmem>> -> memref<128xf32, #tpu.memory_space<vmem>>
      %dma_start3A_125 = arith.constant 0 : i32
      %dma_start3A_126 = tpu.memref_slice %arg9[%while3A_122, %dma_start3A_125] : memref<160x128xi32, #tpu.memory_space<vmem>> -> memref<1x128xi32, #tpu.memory_space<vmem>>
      %dma_start3A_127 = tpu.memref_squeeze %dma_start3A_126 : memref<1x128xi32, #tpu.memory_space<vmem>> -> memref<128xi32, #tpu.memory_space<vmem>>
      %dma_start3A_128 = arith.constant 0 : i32
      %dma_start3A_129 = tpu.memref_slice %arg18[%dma_start3A_128] : memref<10240xf32, #tpu.memory_space<vmem_shared>> -> memref<10240xf32, #tpu.memory_space<vmem_shared>>
      tpu.enqueue_indirect_dma source(%dma_start3A_124 : memref<128xf32, #tpu.memory_space<vmem>>) target(%dma_start3A_129 : memref<10240xf32, #tpu.memory_space<vmem_shared>>) offsets(%dma_start3A_127 : memref<128xi32, #tpu.memory_space<vmem>>) semaphore(%arg20 : memref<!tpu.dma_semaphore, #tpu.memory_space<semaphore_mem>>) {add = true}
    }
    %lt3A_37 = arith.constant 15 : i32
    %lt3A_38 = arith.cmpi slt, %arg1, %lt3A_37 : i32
    %convert_element_type3A_39 = arith.extui %lt3A_38 : i1 to i32
    %cond3A_40 = arith.constant 0 : i32
    %cond3A_41 = arith.cmpi ne, %convert_element_type3A_39, %cond3A_40 : i32
    scf.if %cond3A_41 {
      %dma_wait3A = arith.constant 0 : i32
      %dma_wait3A_122 = arith.constant 0 : i32
      %dma_wait3A_123 = tpu.memref_slice %arg4[%dma_wait3A, %dma_wait3A_122] : memref<2500x128xf32, #tpu.memory_space<hbm>> -> memref<160x128xf32, #tpu.memory_space<hbm>>
      %dma_wait3A_124 = arith.constant 0 : i32
      %dma_wait3A_125 = arith.constant 0 : i32
      %dma_wait3A_126 = tpu.memref_slice %arg4[%dma_wait3A_124, %dma_wait3A_125] : memref<2500x128xf32, #tpu.memory_space<hbm>> -> memref<160x128xf32, #tpu.memory_space<hbm>>
      tpu.wait_dma2 semaphore(%arg20 : memref<!tpu.dma_semaphore, #tpu.memory_space<semaphore_mem>>) src(%dma_wait3A_126 : memref<160x128xf32, #tpu.memory_space<hbm>>) dst(%arg11 : memref<160x128xf32, #tpu.memory_space<vmem>>)
    } else {
    }
    %eq3A_42 = arith.constant 15 : i32
    %eq3A_43 = arith.cmpi eq, %arg1, %eq3A_42 : i32
    %convert_element_type3A_44 = arith.extui %eq3A_43 : i1 to i32
    %cond3A_45 = arith.constant 0 : i32
    %cond3A_46 = arith.cmpi ne, %convert_element_type3A_44, %cond3A_45 : i32
    scf.if %cond3A_46 {
      %dma_wait3A = arith.constant 0 : i32
      %dma_wait3A_122 = arith.constant 0 : i32
      %dma_wait3A_123 = tpu.memref_slice %arg11[%dma_wait3A, %dma_wait3A_122] : memref<160x128xf32, #tpu.memory_space<vmem>> -> memref<100x128xf32, #tpu.memory_space<vmem>>
      %dma_wait3A_124 = arith.constant 0 : i32
      %dma_wait3A_125 = arith.constant 0 : i32
      %dma_wait3A_126 = tpu.memref_slice %arg4[%dma_wait3A_124, %dma_wait3A_125] : memref<2500x128xf32, #tpu.memory_space<hbm>> -> memref<100x128xf32, #tpu.memory_space<hbm>>
      %dma_wait3A_127 = arith.constant 0 : i32
      %dma_wait3A_128 = arith.constant 0 : i32
      %dma_wait3A_129 = tpu.memref_slice %arg11[%dma_wait3A_127, %dma_wait3A_128] : memref<160x128xf32, #tpu.memory_space<vmem>> -> memref<100x128xf32, #tpu.memory_space<vmem>>
      %dma_wait3A_130 = arith.constant 0 : i32
      %dma_wait3A_131 = arith.constant 0 : i32
      %dma_wait3A_132 = tpu.memref_slice %arg4[%dma_wait3A_130, %dma_wait3A_131] : memref<2500x128xf32, #tpu.memory_space<hbm>> -> memref<100x128xf32, #tpu.memory_space<hbm>>
      tpu.wait_dma2 semaphore(%arg20 : memref<!tpu.dma_semaphore, #tpu.memory_space<semaphore_mem>>) src(%dma_wait3A_132 : memref<100x128xf32, #tpu.memory_space<hbm>>) dst(%dma_wait3A_129 : memref<100x128xf32, #tpu.memory_space<vmem>>)
    } else {
    }
    %barrier3A_47 = arith.constant 0 : index
    tpu.barrier barrier_id(%barrier3A_47)
    "tpu.region"() ({
      %run_scoped3A = tpu.sem_alloc : memref<!tpu.dma_semaphore, #tpu.memory_space<semaphore_mem>>
      %dma_start3A = tpu.memref_slice %arg18[%mul3A_0] : memref<10240xf32, #tpu.memory_space<vmem_shared>> -> memref<640xf32, #tpu.memory_space<vmem_shared>>
      %dma_start3A_122 = tpu.memref_slice %arg18[%mul3A_0] : memref<10240xf32, #tpu.memory_space<vmem_shared>> -> memref<640xf32, #tpu.memory_space<vmem_shared>>
      tpu.enqueue_dma source(%dma_start3A_122 : memref<640xf32, #tpu.memory_space<vmem_shared>>) target(%arg15 : memref<640xf32, #tpu.memory_space<vmem>>) target_semaphore(%run_scoped3A : memref<!tpu.dma_semaphore, #tpu.memory_space<semaphore_mem>>)
      %dma_wait3A = tpu.memref_slice %arg18[%mul3A_0] : memref<10240xf32, #tpu.memory_space<vmem_shared>> -> memref<640xf32, #tpu.memory_space<vmem_shared>>
      %dma_wait3A_123 = tpu.memref_slice %arg18[%mul3A_0] : memref<10240xf32, #tpu.memory_space<vmem_shared>> -> memref<640xf32, #tpu.memory_space<vmem_shared>>
      tpu.wait_dma2 semaphore(%run_scoped3A : memref<!tpu.dma_semaphore, #tpu.memory_space<semaphore_mem>>) src(%dma_wait3A_123 : memref<640xf32, #tpu.memory_space<vmem_shared>>) dst(%arg15 : memref<640xf32, #tpu.memory_space<vmem>>)
      tpu.yield
    }) : () -> ()
    %scan3A_48 = arith.constant 0 : i32
    %scan3A_49 = arith.constant 0 : i32
    %scan3A_50 = arith.constant 40 : i32
    %scan3A_51 = arith.addi %scan3A_49, %scan3A_50 : i32
    %scan3A_52 = arith.constant 1 : i32
    scf.for %scan3A_122 = %scan3A_49 to %scan3A_51 step %scan3A_52  : i32 {
      %mul3A_123 = arith.constant 16 : i32
      %mul3A_124 = arith.muli %scan3A_122, %mul3A_123 : i32
      %get3A_125 = arith.index_cast %mul3A_124 : i32 to index
      %get3A_126 = tpu.vector_load %arg15[%get3A_125] {strides = array<i32>} : memref<640xf32, #tpu.memory_space<vmem>>, vector<16xf32>,
      %add3A = arith.constant 1.000000e+00 : f32
      %add3A_127 = vector.broadcast %add3A : f32 to vector<16xf32>
      %add3A_128 = arith.addf %get3A_126, %add3A_127 : vector<16xf32>
      %bitcast_convert_type3A = tpu.bitcast %add3A_128 : vector<16xf32> -> vector<16xi32>
      %shift_right_arithmetic3A = arith.constant 1 : i32
      %shift_right_arithmetic3A_129 = vector.broadcast %shift_right_arithmetic3A : i32 to vector<16xi32>
      %shift_right_arithmetic3A_130 = arith.shrsi %bitcast_convert_type3A, %shift_right_arithmetic3A_129 : vector<16xi32>
      %sub3A = arith.constant 1597463007 : i32
      %sub3A_131 = vector.broadcast %sub3A : i32 to vector<16xi32>
      %sub3A_132 = arith.subi %sub3A_131, %shift_right_arithmetic3A_130 : vector<16xi32>
      %bitcast_convert_type3A_133 = tpu.bitcast %sub3A_132 : vector<16xi32> -> vector<16xf32>
      %mul3A_134 = arith.constant 5.000000e-01 : f32
      %mul3A_135 = vector.broadcast %mul3A_134 : f32 to vector<16xf32>
      %mul3A_136 = arith.mulf %mul3A_135, %add3A_128 : vector<16xf32>
      %mul3A_137 = arith.mulf %mul3A_136, %bitcast_convert_type3A_133 : vector<16xf32>
      %mul3A_138 = arith.mulf %mul3A_137, %bitcast_convert_type3A_133 : vector<16xf32>
      %sub3A_139 = arith.constant 1.500000e+00 : f32
      %sub3A_140 = vector.broadcast %sub3A_139 : f32 to vector<16xf32>
      %sub3A_141 = arith.subf %sub3A_140, %mul3A_138 : vector<16xf32>
      %mul3A_142 = arith.mulf %bitcast_convert_type3A_133, %sub3A_141 : vector<16xf32>
      %mul3A_143 = arith.constant 5.000000e-01 : f32
      %mul3A_144 = vector.broadcast %mul3A_143 : f32 to vector<16xf32>
      %mul3A_145 = arith.mulf %mul3A_144, %add3A_128 : vector<16xf32>
      %mul3A_146 = arith.mulf %mul3A_145, %mul3A_142 : vector<16xf32>
      %mul3A_147 = arith.mulf %mul3A_146, %mul3A_142 : vector<16xf32>
      %sub3A_148 = arith.constant 1.500000e+00 : f32
      %sub3A_149 = vector.broadcast %sub3A_148 : f32 to vector<16xf32>
      %sub3A_150 = arith.subf %sub3A_149, %mul3A_147 : vector<16xf32>
      %mul3A_151 = arith.mulf %mul3A_142, %sub3A_150 : vector<16xf32>
      %mul3A_152 = arith.constant 5.000000e-01 : f32
      %mul3A_153 = vector.broadcast %mul3A_152 : f32 to vector<16xf32>
      %mul3A_154 = arith.mulf %mul3A_153, %add3A_128 : vector<16xf32>
      %mul3A_155 = arith.mulf %mul3A_154, %mul3A_151 : vector<16xf32>
      %mul3A_156 = arith.mulf %mul3A_155, %mul3A_151 : vector<16xf32>
      %sub3A_157 = arith.constant 1.500000e+00 : f32
      %sub3A_158 = vector.broadcast %sub3A_157 : f32 to vector<16xf32>
      %sub3A_159 = arith.subf %sub3A_158, %mul3A_156 : vector<16xf32>
      %mul3A_160 = arith.mulf %mul3A_151, %sub3A_159 : vector<16xf32>
      %mul3A_161 = arith.constant 5.000000e-01 : f32
      %mul3A_162 = vector.broadcast %mul3A_161 : f32 to vector<16xf32>
      %mul3A_163 = arith.mulf %mul3A_162, %add3A_128 : vector<16xf32>
      %mul3A_164 = arith.mulf %mul3A_163, %mul3A_160 : vector<16xf32>
      %mul3A_165 = arith.mulf %mul3A_164, %mul3A_160 : vector<16xf32>
      %sub3A_166 = arith.constant 1.500000e+00 : f32
      %sub3A_167 = vector.broadcast %sub3A_166 : f32 to vector<16xf32>
      %sub3A_168 = arith.subf %sub3A_167, %mul3A_165 : vector<16xf32>
      %mul3A_169 = arith.mulf %mul3A_160, %sub3A_168 : vector<16xf32>
      %swap3A = arith.index_cast %mul3A_124 : i32 to index
      %swap3A_170 = tpu.vector_load %arg13[%swap3A] {strides = array<i32>} : memref<640xf32, #tpu.memory_space<vmem>>, vector<16xf32>,
      tpu.vector_store %arg13[%swap3A], %mul3A_169 {strides = array<i32>} : memref<640xf32, #tpu.memory_space<vmem>>, vector<16xf32>,
      %get3A_171 = arith.index_cast %mul3A_124 : i32 to index
      %get3A_172 = tpu.vector_load %arg14[%get3A_171] {strides = array<i32>} : memref<640xf32, #tpu.memory_space<vmem>>, vector<16xf32>,
      %mul3A_173 = arith.mulf %mul3A_169, %get3A_172 : vector<16xf32>
      %swap3A_174 = arith.index_cast %mul3A_124 : i32 to index
      %swap3A_175 = tpu.vector_load %arg14[%swap3A_174] {strides = array<i32>} : memref<640xf32, #tpu.memory_space<vmem>>, vector<16xf32>,
      tpu.vector_store %arg14[%swap3A_174], %mul3A_173 {strides = array<i32>} : memref<640xf32, #tpu.memory_space<vmem>>, vector<16xf32>,
    }
    %scan3A_53 = arith.constant 40 : i32
    "tpu.region"() ({
      %run_scoped3A = tpu.sem_alloc : memref<!tpu.dma_semaphore, #tpu.memory_space<semaphore_mem>>
      %dma_start3A = tpu.memref_slice %arg19[%mul3A_0] : memref<10240xf32, #tpu.memory_space<vmem_shared>> -> memref<640xf32, #tpu.memory_space<vmem_shared>>
      %dma_start3A_122 = tpu.memref_slice %arg19[%mul3A_0] : memref<10240xf32, #tpu.memory_space<vmem_shared>> -> memref<640xf32, #tpu.memory_space<vmem_shared>>
      tpu.enqueue_dma source(%arg14 : memref<640xf32, #tpu.memory_space<vmem>>) target(%dma_start3A_122 : memref<640xf32, #tpu.memory_space<vmem_shared>>) target_semaphore(%run_scoped3A : memref<!tpu.dma_semaphore, #tpu.memory_space<semaphore_mem>>)
      %dma_wait3A = tpu.memref_slice %arg19[%mul3A_0] : memref<10240xf32, #tpu.memory_space<vmem_shared>> -> memref<640xf32, #tpu.memory_space<vmem_shared>>
      %dma_wait3A_123 = tpu.memref_slice %arg19[%mul3A_0] : memref<10240xf32, #tpu.memory_space<vmem_shared>> -> memref<640xf32, #tpu.memory_space<vmem_shared>>
      tpu.wait_dma2 semaphore(%run_scoped3A : memref<!tpu.dma_semaphore, #tpu.memory_space<semaphore_mem>>) src(%arg14 : memref<640xf32, #tpu.memory_space<vmem>>) dst(%dma_wait3A_123 : memref<640xf32, #tpu.memory_space<vmem_shared>>)
      tpu.yield
    }) : () -> ()
    "tpu.region"() ({
      %run_scoped3A = tpu.sem_alloc : memref<!tpu.dma_semaphore, #tpu.memory_space<semaphore_mem>>
      %dma_start3A = tpu.memref_slice %arg18[%mul3A_0] : memref<10240xf32, #tpu.memory_space<vmem_shared>> -> memref<640xf32, #tpu.memory_space<vmem_shared>>
      %dma_start3A_122 = tpu.memref_slice %arg18[%mul3A_0] : memref<10240xf32, #tpu.memory_space<vmem_shared>> -> memref<640xf32, #tpu.memory_space<vmem_shared>>
      tpu.enqueue_dma source(%arg16 : memref<640xf32, #tpu.memory_space<vmem>>) target(%dma_start3A_122 : memref<640xf32, #tpu.memory_space<vmem_shared>>) target_semaphore(%run_scoped3A : memref<!tpu.dma_semaphore, #tpu.memory_space<semaphore_mem>>)
      %dma_wait3A = tpu.memref_slice %arg18[%mul3A_0] : memref<10240xf32, #tpu.memory_space<vmem_shared>> -> memref<640xf32, #tpu.memory_space<vmem_shared>>
      %dma_wait3A_123 = tpu.memref_slice %arg18[%mul3A_0] : memref<10240xf32, #tpu.memory_space<vmem_shared>> -> memref<640xf32, #tpu.memory_space<vmem_shared>>
      tpu.wait_dma2 semaphore(%run_scoped3A : memref<!tpu.dma_semaphore, #tpu.memory_space<semaphore_mem>>) src(%arg16 : memref<640xf32, #tpu.memory_space<vmem>>) dst(%dma_wait3A_123 : memref<640xf32, #tpu.memory_space<vmem_shared>>)
      tpu.yield
    }) : () -> ()
    %barrier3A_54 = arith.constant 0 : index
    tpu.barrier barrier_id(%barrier3A_54)
    "tpu.region"() ({
      %run_scoped3A = tpu.sem_alloc : memref<!tpu.dma_semaphore, #tpu.memory_space<semaphore_mem>>
      tpu.enqueue_dma source(%arg19 : memref<10240xf32, #tpu.memory_space<vmem_shared>>) target(%arg12 : memref<10240xf32, #tpu.memory_space<vmem>>) target_semaphore(%run_scoped3A : memref<!tpu.dma_semaphore, #tpu.memory_space<semaphore_mem>>)
      tpu.wait_dma2 semaphore(%run_scoped3A : memref<!tpu.dma_semaphore, #tpu.memory_space<semaphore_mem>>) src(%arg19 : memref<10240xf32, #tpu.memory_space<vmem_shared>>) dst(%arg12 : memref<10240xf32, #tpu.memory_space<vmem>>)
      tpu.yield
    }) : () -> ()
    %while3A_55 = arith.constant 0 : i32
    %while3A_56 = arith.constant 0 : i32
    %while3A_57 = arith.subi %select_n3A, %while3A_56 : i32
    %while3A_58 = arith.addi %while3A_56, %while3A_57 : i32
    %while3A_59 = arith.constant 1 : i32
    %while3A_60 = arith.divsi %while3A_57, %while3A_59 : i32
    %while3A_61 = arith.muli %while3A_60, %while3A_59 : i32
    %while3A_62 = arith.addi %while3A_56, %while3A_61 : i32
    %while3A_63 = arith.constant 1 : i32
    scf.for %while3A_122 = %while3A_56 to %while3A_62 step %while3A_63  : i32 {
      %get3A_123 = arith.index_cast %while3A_122 : i32 to index
      %get3A_124 = arith.constant 0 : index
      %get3A_125 = tpu.vector_load %arg10[%get3A_123, %get3A_124] {strides = array<i32>} : memref<160x128xf32, #tpu.memory_space<vmem>>, vector<16xf32>,
      %get3A_126 = arith.index_cast %while3A_122 : i32 to index
      %get3A_127 = arith.constant 0 : index
      %get3A_128 = tpu.vector_load %arg8[%get3A_126, %get3A_127] {strides = array<i32>} : memref<160x128xi32, #tpu.memory_space<vmem>>, vector<16xi32>,
      %gather3A = tpu.vector_load_idx %arg12[%get3A_128] : memref<10240xf32, #tpu.memory_space<vmem>>[vector<16xi32>], vector<16xf32>,
      %mul3A_129 = arith.mulf %get3A_125, %gather3A : vector<16xf32>
      %swap3A = arith.index_cast %while3A_122 : i32 to index
      %swap3A_130 = arith.constant 0 : index
      %swap3A_131 = tpu.vector_load %arg11[%swap3A, %swap3A_130] {strides = array<i32>} : memref<160x128xf32, #tpu.memory_space<vmem>>, vector<16xf32>,
      tpu.vector_store %arg11[%swap3A, %swap3A_130], %mul3A_129 {strides = array<i32>} : memref<160x128xf32, #tpu.memory_space<vmem>>, vector<16xf32>,
      %get3A_132 = arith.index_cast %while3A_122 : i32 to index
      %get3A_133 = arith.constant 16 : index
      %get3A_134 = tpu.vector_load %arg10[%get3A_132, %get3A_133] {strides = array<i32>} : memref<160x128xf32, #tpu.memory_space<vmem>>, vector<16xf32>,
      %get3A_135 = arith.index_cast %while3A_122 : i32 to index
      %get3A_136 = arith.constant 16 : index
      %get3A_137 = tpu.vector_load %arg8[%get3A_135, %get3A_136] {strides = array<i32>} : memref<160x128xi32, #tpu.memory_space<vmem>>, vector<16xi32>,
      %gather3A_138 = tpu.vector_load_idx %arg12[%get3A_137] : memref<10240xf32, #tpu.memory_space<vmem>>[vector<16xi32>], vector<16xf32>,
      %mul3A_139 = arith.mulf %get3A_134, %gather3A_138 : vector<16xf32>
      %swap3A_140 = arith.index_cast %while3A_122 : i32 to index
      %swap3A_141 = arith.constant 16 : index
      %swap3A_142 = tpu.vector_load %arg11[%swap3A_140, %swap3A_141] {strides = array<i32>} : memref<160x128xf32, #tpu.memory_space<vmem>>, vector<16xf32>,
      tpu.vector_store %arg11[%swap3A_140, %swap3A_141], %mul3A_139 {strides = array<i32>} : memref<160x128xf32, #tpu.memory_space<vmem>>, vector<16xf32>,
      %get3A_143 = arith.index_cast %while3A_122 : i32 to index
      %get3A_144 = arith.constant 32 : index
      %get3A_145 = tpu.vector_load %arg10[%get3A_143, %get3A_144] {strides = array<i32>} : memref<160x128xf32, #tpu.memory_space<vmem>>, vector<16xf32>,
      %get3A_146 = arith.index_cast %while3A_122 : i32 to index
      %get3A_147 = arith.constant 32 : index
      %get3A_148 = tpu.vector_load %arg8[%get3A_146, %get3A_147] {strides = array<i32>} : memref<160x128xi32, #tpu.memory_space<vmem>>, vector<16xi32>,
      %gather3A_149 = tpu.vector_load_idx %arg12[%get3A_148] : memref<10240xf32, #tpu.memory_space<vmem>>[vector<16xi32>], vector<16xf32>,
      %mul3A_150 = arith.mulf %get3A_145, %gather3A_149 : vector<16xf32>
      %swap3A_151 = arith.index_cast %while3A_122 : i32 to index
      %swap3A_152 = arith.constant 32 : index
      %swap3A_153 = tpu.vector_load %arg11[%swap3A_151, %swap3A_152] {strides = array<i32>} : memref<160x128xf32, #tpu.memory_space<vmem>>, vector<16xf32>,
      tpu.vector_store %arg11[%swap3A_151, %swap3A_152], %mul3A_150 {strides = array<i32>} : memref<160x128xf32, #tpu.memory_space<vmem>>, vector<16xf32>,
      %get3A_154 = arith.index_cast %while3A_122 : i32 to index
      %get3A_155 = arith.constant 48 : index
      %get3A_156 = tpu.vector_load %arg10[%get3A_154, %get3A_155] {strides = array<i32>} : memref<160x128xf32, #tpu.memory_space<vmem>>, vector<16xf32>,
      %get3A_157 = arith.index_cast %while3A_122 : i32 to index
      %get3A_158 = arith.constant 48 : index
      %get3A_159 = tpu.vector_load %arg8[%get3A_157, %get3A_158] {strides = array<i32>} : memref<160x128xi32, #tpu.memory_space<vmem>>, vector<16xi32>,
      %gather3A_160 = tpu.vector_load_idx %arg12[%get3A_159] : memref<10240xf32, #tpu.memory_space<vmem>>[vector<16xi32>], vector<16xf32>,
      %mul3A_161 = arith.mulf %get3A_156, %gather3A_160 : vector<16xf32>
      %swap3A_162 = arith.index_cast %while3A_122 : i32 to index
      %swap3A_163 = arith.constant 48 : index
      %swap3A_164 = tpu.vector_load %arg11[%swap3A_162, %swap3A_163] {strides = array<i32>} : memref<160x128xf32, #tpu.memory_space<vmem>>, vector<16xf32>,
      tpu.vector_store %arg11[%swap3A_162, %swap3A_163], %mul3A_161 {strides = array<i32>} : memref<160x128xf32, #tpu.memory_space<vmem>>, vector<16xf32>,
      %get3A_165 = arith.index_cast %while3A_122 : i32 to index
      %get3A_166 = arith.constant 64 : index
      %get3A_167 = tpu.vector_load %arg10[%get3A_165, %get3A_166] {strides = array<i32>} : memref<160x128xf32, #tpu.memory_space<vmem>>, vector<16xf32>,
      %get3A_168 = arith.index_cast %while3A_122 : i32 to index
      %get3A_169 = arith.constant 64 : index
      %get3A_170 = tpu.vector_load %arg8[%get3A_168, %get3A_169] {strides = array<i32>} : memref<160x128xi32, #tpu.memory_space<vmem>>, vector<16xi32>,
      %gather3A_171 = tpu.vector_load_idx %arg12[%get3A_170] : memref<10240xf32, #tpu.memory_space<vmem>>[vector<16xi32>], vector<16xf32>,
      %mul3A_172 = arith.mulf %get3A_167, %gather3A_171 : vector<16xf32>
      %swap3A_173 = arith.index_cast %while3A_122 : i32 to index
      %swap3A_174 = arith.constant 64 : index
      %swap3A_175 = tpu.vector_load %arg11[%swap3A_173, %swap3A_174] {strides = array<i32>} : memref<160x128xf32, #tpu.memory_space<vmem>>, vector<16xf32>,
      tpu.vector_store %arg11[%swap3A_173, %swap3A_174], %mul3A_172 {strides = array<i32>} : memref<160x128xf32, #tpu.memory_space<vmem>>, vector<16xf32>,
      %get3A_176 = arith.index_cast %while3A_122 : i32 to index
      %get3A_177 = arith.constant 80 : index
      %get3A_178 = tpu.vector_load %arg10[%get3A_176, %get3A_177] {strides = array<i32>} : memref<160x128xf32, #tpu.memory_space<vmem>>, vector<16xf32>,
      %get3A_179 = arith.index_cast %while3A_122 : i32 to index
      %get3A_180 = arith.constant 80 : index
      %get3A_181 = tpu.vector_load %arg8[%get3A_179, %get3A_180] {strides = array<i32>} : memref<160x128xi32, #tpu.memory_space<vmem>>, vector<16xi32>,
      %gather3A_182 = tpu.vector_load_idx %arg12[%get3A_181] : memref<10240xf32, #tpu.memory_space<vmem>>[vector<16xi32>], vector<16xf32>,
      %mul3A_183 = arith.mulf %get3A_178, %gather3A_182 : vector<16xf32>
      %swap3A_184 = arith.index_cast %while3A_122 : i32 to index
      %swap3A_185 = arith.constant 80 : index
      %swap3A_186 = tpu.vector_load %arg11[%swap3A_184, %swap3A_185] {strides = array<i32>} : memref<160x128xf32, #tpu.memory_space<vmem>>, vector<16xf32>,
      tpu.vector_store %arg11[%swap3A_184, %swap3A_185], %mul3A_183 {strides = array<i32>} : memref<160x128xf32, #tpu.memory_space<vmem>>, vector<16xf32>,
      %get3A_187 = arith.index_cast %while3A_122 : i32 to index
      %get3A_188 = arith.constant 96 : index
      %get3A_189 = tpu.vector_load %arg10[%get3A_187, %get3A_188] {strides = array<i32>} : memref<160x128xf32, #tpu.memory_space<vmem>>, vector<16xf32>,
      %get3A_190 = arith.index_cast %while3A_122 : i32 to index
      %get3A_191 = arith.constant 96 : index
      %get3A_192 = tpu.vector_load %arg8[%get3A_190, %get3A_191] {strides = array<i32>} : memref<160x128xi32, #tpu.memory_space<vmem>>, vector<16xi32>,
      %gather3A_193 = tpu.vector_load_idx %arg12[%get3A_192] : memref<10240xf32, #tpu.memory_space<vmem>>[vector<16xi32>], vector<16xf32>,
      %mul3A_194 = arith.mulf %get3A_189, %gather3A_193 : vector<16xf32>
      %swap3A_195 = arith.index_cast %while3A_122 : i32 to index
      %swap3A_196 = arith.constant 96 : index
      %swap3A_197 = tpu.vector_load %arg11[%swap3A_195, %swap3A_196] {strides = array<i32>} : memref<160x128xf32, #tpu.memory_space<vmem>>, vector<16xf32>,
      tpu.vector_store %arg11[%swap3A_195, %swap3A_196], %mul3A_194 {strides = array<i32>} : memref<160x128xf32, #tpu.memory_space<vmem>>, vector<16xf32>,
      %get3A_198 = arith.index_cast %while3A_122 : i32 to index
      %get3A_199 = arith.constant 112 : index
      %get3A_200 = tpu.vector_load %arg10[%get3A_198, %get3A_199] {strides = array<i32>} : memref<160x128xf32, #tpu.memory_space<vmem>>, vector<16xf32>,
      %get3A_201 = arith.index_cast %while3A_122 : i32 to index
      %get3A_202 = arith.constant 112 : index
      %get3A_203 = tpu.vector_load %arg8[%get3A_201, %get3A_202] {strides = array<i32>} : memref<160x128xi32, #tpu.memory_space<vmem>>, vector<16xi32>,
      %gather3A_204 = tpu.vector_load_idx %arg12[%get3A_203] : memref<10240xf32, #tpu.memory_space<vmem>>[vector<16xi32>], vector<16xf32>,
      %mul3A_205 = arith.mulf %get3A_200, %gather3A_204 : vector<16xf32>
      %swap3A_206 = arith.index_cast %while3A_122 : i32 to index
      %swap3A_207 = arith.constant 112 : index
      %swap3A_208 = tpu.vector_load %arg11[%swap3A_206, %swap3A_207] {strides = array<i32>} : memref<160x128xf32, #tpu.memory_space<vmem>>, vector<16xf32>,
      tpu.vector_store %arg11[%swap3A_206, %swap3A_207], %mul3A_205 {strides = array<i32>} : memref<160x128xf32, #tpu.memory_space<vmem>>, vector<16xf32>,
      %dma_start3A = arith.constant 0 : i32
      %dma_start3A_209 = tpu.memref_slice %arg11[%while3A_122, %dma_start3A] : memref<160x128xf32, #tpu.memory_space<vmem>> -> memref<1x128xf32, #tpu.memory_space<vmem>>
      %dma_start3A_210 = tpu.memref_squeeze %dma_start3A_209 : memref<1x128xf32, #tpu.memory_space<vmem>> -> memref<128xf32, #tpu.memory_space<vmem>>
      %dma_start3A_211 = arith.constant 0 : i32
      %dma_start3A_212 = tpu.memref_slice %arg9[%while3A_122, %dma_start3A_211] : memref<160x128xi32, #tpu.memory_space<vmem>> -> memref<1x128xi32, #tpu.memory_space<vmem>>
      %dma_start3A_213 = tpu.memref_squeeze %dma_start3A_212 : memref<1x128xi32, #tpu.memory_space<vmem>> -> memref<128xi32, #tpu.memory_space<vmem>>
      %dma_start3A_214 = arith.constant 0 : i32
      %dma_start3A_215 = tpu.memref_slice %arg18[%dma_start3A_214] : memref<10240xf32, #tpu.memory_space<vmem_shared>> -> memref<10240xf32, #tpu.memory_space<vmem_shared>>
      tpu.enqueue_indirect_dma source(%dma_start3A_210 : memref<128xf32, #tpu.memory_space<vmem>>) target(%dma_start3A_215 : memref<10240xf32, #tpu.memory_space<vmem_shared>>) offsets(%dma_start3A_213 : memref<128xi32, #tpu.memory_space<vmem>>) semaphore(%arg20 : memref<!tpu.dma_semaphore, #tpu.memory_space<semaphore_mem>>) {add = true}
    }
    %while3A_64 = arith.constant 1 : i32
    scf.for %while3A_122 = %while3A_62 to %while3A_58 step %while3A_64  : i32 {
      %get3A_123 = arith.index_cast %while3A_122 : i32 to index
      %get3A_124 = arith.constant 0 : index
      %get3A_125 = tpu.vector_load %arg10[%get3A_123, %get3A_124] {strides = array<i32>} : memref<160x128xf32, #tpu.memory_space<vmem>>, vector<16xf32>,
      %get3A_126 = arith.index_cast %while3A_122 : i32 to index
      %get3A_127 = arith.constant 0 : index
      %get3A_128 = tpu.vector_load %arg8[%get3A_126, %get3A_127] {strides = array<i32>} : memref<160x128xi32, #tpu.memory_space<vmem>>, vector<16xi32>,
      %gather3A = tpu.vector_load_idx %arg12[%get3A_128] : memref<10240xf32, #tpu.memory_space<vmem>>[vector<16xi32>], vector<16xf32>,
      %mul3A_129 = arith.mulf %get3A_125, %gather3A : vector<16xf32>
      %swap3A = arith.index_cast %while3A_122 : i32 to index
      %swap3A_130 = arith.constant 0 : index
      %swap3A_131 = tpu.vector_load %arg11[%swap3A, %swap3A_130] {strides = array<i32>} : memref<160x128xf32, #tpu.memory_space<vmem>>, vector<16xf32>,
      tpu.vector_store %arg11[%swap3A, %swap3A_130], %mul3A_129 {strides = array<i32>} : memref<160x128xf32, #tpu.memory_space<vmem>>, vector<16xf32>,
      %get3A_132 = arith.index_cast %while3A_122 : i32 to index
      %get3A_133 = arith.constant 16 : index
      %get3A_134 = tpu.vector_load %arg10[%get3A_132, %get3A_133] {strides = array<i32>} : memref<160x128xf32, #tpu.memory_space<vmem>>, vector<16xf32>,
      %get3A_135 = arith.index_cast %while3A_122 : i32 to index
      %get3A_136 = arith.constant 16 : index
      %get3A_137 = tpu.vector_load %arg8[%get3A_135, %get3A_136] {strides = array<i32>} : memref<160x128xi32, #tpu.memory_space<vmem>>, vector<16xi32>,
      %gather3A_138 = tpu.vector_load_idx %arg12[%get3A_137] : memref<10240xf32, #tpu.memory_space<vmem>>[vector<16xi32>], vector<16xf32>,
      %mul3A_139 = arith.mulf %get3A_134, %gather3A_138 : vector<16xf32>
      %swap3A_140 = arith.index_cast %while3A_122 : i32 to index
      %swap3A_141 = arith.constant 16 : index
      %swap3A_142 = tpu.vector_load %arg11[%swap3A_140, %swap3A_141] {strides = array<i32>} : memref<160x128xf32, #tpu.memory_space<vmem>>, vector<16xf32>,
      tpu.vector_store %arg11[%swap3A_140, %swap3A_141], %mul3A_139 {strides = array<i32>} : memref<160x128xf32, #tpu.memory_space<vmem>>, vector<16xf32>,
      %get3A_143 = arith.index_cast %while3A_122 : i32 to index
      %get3A_144 = arith.constant 32 : index
      %get3A_145 = tpu.vector_load %arg10[%get3A_143, %get3A_144] {strides = array<i32>} : memref<160x128xf32, #tpu.memory_space<vmem>>, vector<16xf32>,
      %get3A_146 = arith.index_cast %while3A_122 : i32 to index
      %get3A_147 = arith.constant 32 : index
      %get3A_148 = tpu.vector_load %arg8[%get3A_146, %get3A_147] {strides = array<i32>} : memref<160x128xi32, #tpu.memory_space<vmem>>, vector<16xi32>,
      %gather3A_149 = tpu.vector_load_idx %arg12[%get3A_148] : memref<10240xf32, #tpu.memory_space<vmem>>[vector<16xi32>], vector<16xf32>,
      %mul3A_150 = arith.mulf %get3A_145, %gather3A_149 : vector<16xf32>
      %swap3A_151 = arith.index_cast %while3A_122 : i32 to index
      %swap3A_152 = arith.constant 32 : index
      %swap3A_153 = tpu.vector_load %arg11[%swap3A_151, %swap3A_152] {strides = array<i32>} : memref<160x128xf32, #tpu.memory_space<vmem>>, vector<16xf32>,
      tpu.vector_store %arg11[%swap3A_151, %swap3A_152], %mul3A_150 {strides = array<i32>} : memref<160x128xf32, #tpu.memory_space<vmem>>, vector<16xf32>,
      %get3A_154 = arith.index_cast %while3A_122 : i32 to index
      %get3A_155 = arith.constant 48 : index
      %get3A_156 = tpu.vector_load %arg10[%get3A_154, %get3A_155] {strides = array<i32>} : memref<160x128xf32, #tpu.memory_space<vmem>>, vector<16xf32>,
      %get3A_157 = arith.index_cast %while3A_122 : i32 to index
      %get3A_158 = arith.constant 48 : index
      %get3A_159 = tpu.vector_load %arg8[%get3A_157, %get3A_158] {strides = array<i32>} : memref<160x128xi32, #tpu.memory_space<vmem>>, vector<16xi32>,
      %gather3A_160 = tpu.vector_load_idx %arg12[%get3A_159] : memref<10240xf32, #tpu.memory_space<vmem>>[vector<16xi32>], vector<16xf32>,
      %mul3A_161 = arith.mulf %get3A_156, %gather3A_160 : vector<16xf32>
      %swap3A_162 = arith.index_cast %while3A_122 : i32 to index
      %swap3A_163 = arith.constant 48 : index
      %swap3A_164 = tpu.vector_load %arg11[%swap3A_162, %swap3A_163] {strides = array<i32>} : memref<160x128xf32, #tpu.memory_space<vmem>>, vector<16xf32>,
      tpu.vector_store %arg11[%swap3A_162, %swap3A_163], %mul3A_161 {strides = array<i32>} : memref<160x128xf32, #tpu.memory_space<vmem>>, vector<16xf32>,
      %get3A_165 = arith.index_cast %while3A_122 : i32 to index
      %get3A_166 = arith.constant 64 : index
      %get3A_167 = tpu.vector_load %arg10[%get3A_165, %get3A_166] {strides = array<i32>} : memref<160x128xf32, #tpu.memory_space<vmem>>, vector<16xf32>,
      %get3A_168 = arith.index_cast %while3A_122 : i32 to index
      %get3A_169 = arith.constant 64 : index
      %get3A_170 = tpu.vector_load %arg8[%get3A_168, %get3A_169] {strides = array<i32>} : memref<160x128xi32, #tpu.memory_space<vmem>>, vector<16xi32>,
      %gather3A_171 = tpu.vector_load_idx %arg12[%get3A_170] : memref<10240xf32, #tpu.memory_space<vmem>>[vector<16xi32>], vector<16xf32>,
      %mul3A_172 = arith.mulf %get3A_167, %gather3A_171 : vector<16xf32>
      %swap3A_173 = arith.index_cast %while3A_122 : i32 to index
      %swap3A_174 = arith.constant 64 : index
      %swap3A_175 = tpu.vector_load %arg11[%swap3A_173, %swap3A_174] {strides = array<i32>} : memref<160x128xf32, #tpu.memory_space<vmem>>, vector<16xf32>,
      tpu.vector_store %arg11[%swap3A_173, %swap3A_174], %mul3A_172 {strides = array<i32>} : memref<160x128xf32, #tpu.memory_space<vmem>>, vector<16xf32>,
      %get3A_176 = arith.index_cast %while3A_122 : i32 to index
      %get3A_177 = arith.constant 80 : index
      %get3A_178 = tpu.vector_load %arg10[%get3A_176, %get3A_177] {strides = array<i32>} : memref<160x128xf32, #tpu.memory_space<vmem>>, vector<16xf32>,
      %get3A_179 = arith.index_cast %while3A_122 : i32 to index
      %get3A_180 = arith.constant 80 : index
      %get3A_181 = tpu.vector_load %arg8[%get3A_179, %get3A_180] {strides = array<i32>} : memref<160x128xi32, #tpu.memory_space<vmem>>, vector<16xi32>,
      %gather3A_182 = tpu.vector_load_idx %arg12[%get3A_181] : memref<10240xf32, #tpu.memory_space<vmem>>[vector<16xi32>], vector<16xf32>,
      %mul3A_183 = arith.mulf %get3A_178, %gather3A_182 : vector<16xf32>
      %swap3A_184 = arith.index_cast %while3A_122 : i32 to index
      %swap3A_185 = arith.constant 80 : index
      %swap3A_186 = tpu.vector_load %arg11[%swap3A_184, %swap3A_185] {strides = array<i32>} : memref<160x128xf32, #tpu.memory_space<vmem>>, vector<16xf32>,
      tpu.vector_store %arg11[%swap3A_184, %swap3A_185], %mul3A_183 {strides = array<i32>} : memref<160x128xf32, #tpu.memory_space<vmem>>, vector<16xf32>,
      %get3A_187 = arith.index_cast %while3A_122 : i32 to index
      %get3A_188 = arith.constant 96 : index
      %get3A_189 = tpu.vector_load %arg10[%get3A_187, %get3A_188] {strides = array<i32>} : memref<160x128xf32, #tpu.memory_space<vmem>>, vector<16xf32>,
      %get3A_190 = arith.index_cast %while3A_122 : i32 to index
      %get3A_191 = arith.constant 96 : index
      %get3A_192 = tpu.vector_load %arg8[%get3A_190, %get3A_191] {strides = array<i32>} : memref<160x128xi32, #tpu.memory_space<vmem>>, vector<16xi32>,
      %gather3A_193 = tpu.vector_load_idx %arg12[%get3A_192] : memref<10240xf32, #tpu.memory_space<vmem>>[vector<16xi32>], vector<16xf32>,
      %mul3A_194 = arith.mulf %get3A_189, %gather3A_193 : vector<16xf32>
      %swap3A_195 = arith.index_cast %while3A_122 : i32 to index
      %swap3A_196 = arith.constant 96 : index
      %swap3A_197 = tpu.vector_load %arg11[%swap3A_195, %swap3A_196] {strides = array<i32>} : memref<160x128xf32, #tpu.memory_space<vmem>>, vector<16xf32>,
      tpu.vector_store %arg11[%swap3A_195, %swap3A_196], %mul3A_194 {strides = array<i32>} : memref<160x128xf32, #tpu.memory_space<vmem>>, vector<16xf32>,
      %get3A_198 = arith.index_cast %while3A_122 : i32 to index
      %get3A_199 = arith.constant 112 : index
      %get3A_200 = tpu.vector_load %arg10[%get3A_198, %get3A_199] {strides = array<i32>} : memref<160x128xf32, #tpu.memory_space<vmem>>, vector<16xf32>,
      %get3A_201 = arith.index_cast %while3A_122 : i32 to index
      %get3A_202 = arith.constant 112 : index
      %get3A_203 = tpu.vector_load %arg8[%get3A_201, %get3A_202] {strides = array<i32>} : memref<160x128xi32, #tpu.memory_space<vmem>>, vector<16xi32>,
      %gather3A_204 = tpu.vector_load_idx %arg12[%get3A_203] : memref<10240xf32, #tpu.memory_space<vmem>>[vector<16xi32>], vector<16xf32>,
      %mul3A_205 = arith.mulf %get3A_200, %gather3A_204 : vector<16xf32>
      %swap3A_206 = arith.index_cast %while3A_122 : i32 to index
      %swap3A_207 = arith.constant 112 : index
      %swap3A_208 = tpu.vector_load %arg11[%swap3A_206, %swap3A_207] {strides = array<i32>} : memref<160x128xf32, #tpu.memory_space<vmem>>, vector<16xf32>,
      tpu.vector_store %arg11[%swap3A_206, %swap3A_207], %mul3A_205 {strides = array<i32>} : memref<160x128xf32, #tpu.memory_space<vmem>>, vector<16xf32>,
      %dma_start3A = arith.constant 0 : i32
      %dma_start3A_209 = tpu.memref_slice %arg11[%while3A_122, %dma_start3A] : memref<160x128xf32, #tpu.memory_space<vmem>> -> memref<1x128xf32, #tpu.memory_space<vmem>>
      %dma_start3A_210 = tpu.memref_squeeze %dma_start3A_209 : memref<1x128xf32, #tpu.memory_space<vmem>> -> memref<128xf32, #tpu.memory_space<vmem>>
      %dma_start3A_211 = arith.constant 0 : i32
      %dma_start3A_212 = tpu.memref_slice %arg9[%while3A_122, %dma_start3A_211] : memref<160x128xi32, #tpu.memory_space<vmem>> -> memref<1x128xi32, #tpu.memory_space<vmem>>
      %dma_start3A_213 = tpu.memref_squeeze %dma_start3A_212 : memref<1x128xi32, #tpu.memory_space<vmem>> -> memref<128xi32, #tpu.memory_space<vmem>>
      %dma_start3A_214 = arith.constant 0 : i32
      %dma_start3A_215 = tpu.memref_slice %arg18[%dma_start3A_214] : memref<10240xf32, #tpu.memory_space<vmem_shared>> -> memref<10240xf32, #tpu.memory_space<vmem_shared>>
      tpu.enqueue_indirect_dma source(%dma_start3A_210 : memref<128xf32, #tpu.memory_space<vmem>>) target(%dma_start3A_215 : memref<10240xf32, #tpu.memory_space<vmem_shared>>) offsets(%dma_start3A_213 : memref<128xi32, #tpu.memory_space<vmem>>) semaphore(%arg20 : memref<!tpu.dma_semaphore, #tpu.memory_space<semaphore_mem>>) {add = true}
    }
    %lt3A_65 = arith.constant 15 : i32
    %lt3A_66 = arith.cmpi slt, %arg1, %lt3A_65 : i32
    %convert_element_type3A_67 = arith.extui %lt3A_66 : i1 to i32
    %cond3A_68 = arith.constant 0 : i32
    %cond3A_69 = arith.cmpi ne, %convert_element_type3A_67, %cond3A_68 : i32
    scf.if %cond3A_69 {
      %dma_wait3A = arith.constant 0 : i32
      %dma_wait3A_122 = arith.constant 0 : i32
      %dma_wait3A_123 = tpu.memref_slice %arg4[%dma_wait3A, %dma_wait3A_122] : memref<2500x128xf32, #tpu.memory_space<hbm>> -> memref<160x128xf32, #tpu.memory_space<hbm>>
      %dma_wait3A_124 = arith.constant 0 : i32
      %dma_wait3A_125 = arith.constant 0 : i32
      %dma_wait3A_126 = tpu.memref_slice %arg4[%dma_wait3A_124, %dma_wait3A_125] : memref<2500x128xf32, #tpu.memory_space<hbm>> -> memref<160x128xf32, #tpu.memory_space<hbm>>
      tpu.wait_dma2 semaphore(%arg20 : memref<!tpu.dma_semaphore, #tpu.memory_space<semaphore_mem>>) src(%dma_wait3A_126 : memref<160x128xf32, #tpu.memory_space<hbm>>) dst(%arg11 : memref<160x128xf32, #tpu.memory_space<vmem>>)
    } else {
    }
    %eq3A_70 = arith.constant 15 : i32
    %eq3A_71 = arith.cmpi eq, %arg1, %eq3A_70 : i32
    %convert_element_type3A_72 = arith.extui %eq3A_71 : i1 to i32
    %cond3A_73 = arith.constant 0 : i32
    %cond3A_74 = arith.cmpi ne, %convert_element_type3A_72, %cond3A_73 : i32
    scf.if %cond3A_74 {
      %dma_wait3A = arith.constant 0 : i32
      %dma_wait3A_122 = arith.constant 0 : i32
      %dma_wait3A_123 = tpu.memref_slice %arg11[%dma_wait3A, %dma_wait3A_122] : memref<160x128xf32, #tpu.memory_space<vmem>> -> memref<100x128xf32, #tpu.memory_space<vmem>>
      %dma_wait3A_124 = arith.constant 0 : i32
      %dma_wait3A_125 = arith.constant 0 : i32
      %dma_wait3A_126 = tpu.memref_slice %arg4[%dma_wait3A_124, %dma_wait3A_125] : memref<2500x128xf32, #tpu.memory_space<hbm>> -> memref<100x128xf32, #tpu.memory_space<hbm>>
      %dma_wait3A_127 = arith.constant 0 : i32
      %dma_wait3A_128 = arith.constant 0 : i32
      %dma_wait3A_129 = tpu.memref_slice %arg11[%dma_wait3A_127, %dma_wait3A_128] : memref<160x128xf32, #tpu.memory_space<vmem>> -> memref<100x128xf32, #tpu.memory_space<vmem>>
      %dma_wait3A_130 = arith.constant 0 : i32
      %dma_wait3A_131 = arith.constant 0 : i32
      %dma_wait3A_132 = tpu.memref_slice %arg4[%dma_wait3A_130, %dma_wait3A_131] : memref<2500x128xf32, #tpu.memory_space<hbm>> -> memref<100x128xf32, #tpu.memory_space<hbm>>
      tpu.wait_dma2 semaphore(%arg20 : memref<!tpu.dma_semaphore, #tpu.memory_space<semaphore_mem>>) src(%dma_wait3A_132 : memref<100x128xf32, #tpu.memory_space<hbm>>) dst(%dma_wait3A_129 : memref<100x128xf32, #tpu.memory_space<vmem>>)
    } else {
    }
    %barrier3A_75 = arith.constant 0 : index
    tpu.barrier barrier_id(%barrier3A_75)
    "tpu.region"() ({
      %run_scoped3A = tpu.sem_alloc : memref<!tpu.dma_semaphore, #tpu.memory_space<semaphore_mem>>
      %dma_start3A = tpu.memref_slice %arg18[%mul3A_0] : memref<10240xf32, #tpu.memory_space<vmem_shared>> -> memref<640xf32, #tpu.memory_space<vmem_shared>>
      %dma_start3A_122 = tpu.memref_slice %arg18[%mul3A_0] : memref<10240xf32, #tpu.memory_space<vmem_shared>> -> memref<640xf32, #tpu.memory_space<vmem_shared>>
      tpu.enqueue_dma source(%dma_start3A_122 : memref<640xf32, #tpu.memory_space<vmem_shared>>) target(%arg15 : memref<640xf32, #tpu.memory_space<vmem>>) target_semaphore(%run_scoped3A : memref<!tpu.dma_semaphore, #tpu.memory_space<semaphore_mem>>)
      %dma_wait3A = tpu.memref_slice %arg18[%mul3A_0] : memref<10240xf32, #tpu.memory_space<vmem_shared>> -> memref<640xf32, #tpu.memory_space<vmem_shared>>
      %dma_wait3A_123 = tpu.memref_slice %arg18[%mul3A_0] : memref<10240xf32, #tpu.memory_space<vmem_shared>> -> memref<640xf32, #tpu.memory_space<vmem_shared>>
      tpu.wait_dma2 semaphore(%run_scoped3A : memref<!tpu.dma_semaphore, #tpu.memory_space<semaphore_mem>>) src(%dma_wait3A_123 : memref<640xf32, #tpu.memory_space<vmem_shared>>) dst(%arg15 : memref<640xf32, #tpu.memory_space<vmem>>)
      tpu.yield
    }) : () -> ()
    %get3A = arith.constant 0 : i32
    %get3A_76 = arith.index_cast %get3A : i32 to index
    %get3A_77 = arith.constant 0 : index
    %get3A_78 = tpu.vector_load %arg17[%get3A_76, %get3A_77] {strides = array<i32>} : memref<1x128xf32, #tpu.memory_space<vmem>>, vector<16xf32>,
    %scan3A_79 = arith.constant 0 : i32
    %scan3A_80 = arith.constant 0 : i32
    %scan3A_81 = arith.constant 40 : i32
    %scan3A_82 = arith.addi %scan3A_80, %scan3A_81 : i32
    %scan3A_83 = arith.constant 1 : i32
    scf.for %scan3A_122 = %scan3A_80 to %scan3A_82 step %scan3A_83  : i32 {
      %mul3A_123 = arith.constant 16 : i32
      %mul3A_124 = arith.muli %scan3A_122, %mul3A_123 : i32
      %get3A_125 = arith.index_cast %mul3A_124 : i32 to index
      %get3A_126 = tpu.vector_load %arg13[%get3A_125] {strides = array<i32>} : memref<640xf32, #tpu.memory_space<vmem>>, vector<16xf32>,
      %mul3A_127 = arith.mulf %get3A_126, %get3A_126 : vector<16xf32>
      %get3A_128 = arith.index_cast %mul3A_124 : i32 to index
      %get3A_129 = tpu.vector_load %arg15[%get3A_128] {strides = array<i32>} : memref<640xf32, #tpu.memory_space<vmem>>, vector<16xf32>,
      %get3A_130 = arith.index_cast %mul3A_124 : i32 to index
      %get3A_131 = tpu.vector_load %arg14[%get3A_130] {strides = array<i32>} : memref<640xf32, #tpu.memory_space<vmem>>, vector<16xf32>,
      %add3A = arith.addf %get3A_129, %get3A_131 : vector<16xf32>
      %mul3A_132 = arith.mulf %mul3A_127, %add3A : vector<16xf32>
      %mul3A_133 = arith.mulf %get3A_78, %get3A_126 : vector<16xf32>
      %add3A_134 = arith.addf %mul3A_132, %mul3A_133 : vector<16xf32>
      %swap3A = arith.index_cast %mul3A_124 : i32 to index
      %swap3A_135 = tpu.vector_load %arg14[%swap3A] {strides = array<i32>} : memref<640xf32, #tpu.memory_space<vmem>>, vector<16xf32>,
      tpu.vector_store %arg14[%swap3A], %add3A_134 {strides = array<i32>} : memref<640xf32, #tpu.memory_space<vmem>>, vector<16xf32>,
    }
    %scan3A_84 = arith.constant 40 : i32
    "tpu.region"() ({
      %run_scoped3A = tpu.sem_alloc : memref<!tpu.dma_semaphore, #tpu.memory_space<semaphore_mem>>
      %dma_start3A = tpu.memref_slice %arg19[%mul3A_0] : memref<10240xf32, #tpu.memory_space<vmem_shared>> -> memref<640xf32, #tpu.memory_space<vmem_shared>>
      %dma_start3A_122 = tpu.memref_slice %arg19[%mul3A_0] : memref<10240xf32, #tpu.memory_space<vmem_shared>> -> memref<640xf32, #tpu.memory_space<vmem_shared>>
      tpu.enqueue_dma source(%arg14 : memref<640xf32, #tpu.memory_space<vmem>>) target(%dma_start3A_122 : memref<640xf32, #tpu.memory_space<vmem_shared>>) target_semaphore(%run_scoped3A : memref<!tpu.dma_semaphore, #tpu.memory_space<semaphore_mem>>)
      %dma_wait3A = tpu.memref_slice %arg19[%mul3A_0] : memref<10240xf32, #tpu.memory_space<vmem_shared>> -> memref<640xf32, #tpu.memory_space<vmem_shared>>
      %dma_wait3A_123 = tpu.memref_slice %arg19[%mul3A_0] : memref<10240xf32, #tpu.memory_space<vmem_shared>> -> memref<640xf32, #tpu.memory_space<vmem_shared>>
      tpu.wait_dma2 semaphore(%run_scoped3A : memref<!tpu.dma_semaphore, #tpu.memory_space<semaphore_mem>>) src(%arg14 : memref<640xf32, #tpu.memory_space<vmem>>) dst(%dma_wait3A_123 : memref<640xf32, #tpu.memory_space<vmem_shared>>)
      tpu.yield
    }) : () -> ()
    "tpu.region"() ({
      %run_scoped3A = tpu.sem_alloc : memref<!tpu.dma_semaphore, #tpu.memory_space<semaphore_mem>>
      %dma_start3A = tpu.memref_slice %arg18[%mul3A_0] : memref<10240xf32, #tpu.memory_space<vmem_shared>> -> memref<640xf32, #tpu.memory_space<vmem_shared>>
      %dma_start3A_122 = tpu.memref_slice %arg18[%mul3A_0] : memref<10240xf32, #tpu.memory_space<vmem_shared>> -> memref<640xf32, #tpu.memory_space<vmem_shared>>
      tpu.enqueue_dma source(%arg16 : memref<640xf32, #tpu.memory_space<vmem>>) target(%dma_start3A_122 : memref<640xf32, #tpu.memory_space<vmem_shared>>) target_semaphore(%run_scoped3A : memref<!tpu.dma_semaphore, #tpu.memory_space<semaphore_mem>>)
      %dma_wait3A = tpu.memref_slice %arg18[%mul3A_0] : memref<10240xf32, #tpu.memory_space<vmem_shared>> -> memref<640xf32, #tpu.memory_space<vmem_shared>>
      %dma_wait3A_123 = tpu.memref_slice %arg18[%mul3A_0] : memref<10240xf32, #tpu.memory_space<vmem_shared>> -> memref<640xf32, #tpu.memory_space<vmem_shared>>
      tpu.wait_dma2 semaphore(%run_scoped3A : memref<!tpu.dma_semaphore, #tpu.memory_space<semaphore_mem>>) src(%arg16 : memref<640xf32, #tpu.memory_space<vmem>>) dst(%dma_wait3A_123 : memref<640xf32, #tpu.memory_space<vmem_shared>>)
      tpu.yield
    }) : () -> ()
    %barrier3A_85 = arith.constant 0 : index
    tpu.barrier barrier_id(%barrier3A_85)
    "tpu.region"() ({
      %run_scoped3A = tpu.sem_alloc : memref<!tpu.dma_semaphore, #tpu.memory_space<semaphore_mem>>
      tpu.enqueue_dma source(%arg19 : memref<10240xf32, #tpu.memory_space<vmem_shared>>) target(%arg12 : memref<10240xf32, #tpu.memory_space<vmem>>) target_semaphore(%run_scoped3A : memref<!tpu.dma_semaphore, #tpu.memory_space<semaphore_mem>>)
      tpu.wait_dma2 semaphore(%run_scoped3A : memref<!tpu.dma_semaphore, #tpu.memory_space<semaphore_mem>>) src(%arg19 : memref<10240xf32, #tpu.memory_space<vmem_shared>>) dst(%arg12 : memref<10240xf32, #tpu.memory_space<vmem>>)
      tpu.yield
    }) : () -> ()
    %while3A_86 = arith.constant 0 : i32
    %while3A_87 = arith.constant 0 : i32
    %while3A_88 = arith.subi %select_n3A, %while3A_87 : i32
    %while3A_89 = arith.addi %while3A_87, %while3A_88 : i32
    %while3A_90 = arith.constant 1 : i32
    %while3A_91 = arith.divsi %while3A_88, %while3A_90 : i32
    %while3A_92 = arith.muli %while3A_91, %while3A_90 : i32
    %while3A_93 = arith.addi %while3A_87, %while3A_92 : i32
    %while3A_94 = arith.constant 1 : i32
    scf.for %while3A_122 = %while3A_87 to %while3A_93 step %while3A_94  : i32 {
      %get3A_123 = arith.index_cast %while3A_122 : i32 to index
      %get3A_124 = arith.constant 0 : index
      %get3A_125 = tpu.vector_load %arg10[%get3A_123, %get3A_124] {strides = array<i32>} : memref<160x128xf32, #tpu.memory_space<vmem>>, vector<16xf32>,
      %get3A_126 = arith.index_cast %while3A_122 : i32 to index
      %get3A_127 = arith.constant 0 : index
      %get3A_128 = tpu.vector_load %arg8[%get3A_126, %get3A_127] {strides = array<i32>} : memref<160x128xi32, #tpu.memory_space<vmem>>, vector<16xi32>,
      %gather3A = tpu.vector_load_idx %arg12[%get3A_128] : memref<10240xf32, #tpu.memory_space<vmem>>[vector<16xi32>], vector<16xf32>,
      %mul3A_129 = arith.mulf %get3A_125, %gather3A : vector<16xf32>
      %swap3A = arith.index_cast %while3A_122 : i32 to index
      %swap3A_130 = arith.constant 0 : index
      %swap3A_131 = tpu.vector_load %arg11[%swap3A, %swap3A_130] {strides = array<i32>} : memref<160x128xf32, #tpu.memory_space<vmem>>, vector<16xf32>,
      tpu.vector_store %arg11[%swap3A, %swap3A_130], %mul3A_129 {strides = array<i32>} : memref<160x128xf32, #tpu.memory_space<vmem>>, vector<16xf32>,
      %get3A_132 = arith.index_cast %while3A_122 : i32 to index
      %get3A_133 = arith.constant 16 : index
      %get3A_134 = tpu.vector_load %arg10[%get3A_132, %get3A_133] {strides = array<i32>} : memref<160x128xf32, #tpu.memory_space<vmem>>, vector<16xf32>,
      %get3A_135 = arith.index_cast %while3A_122 : i32 to index
      %get3A_136 = arith.constant 16 : index
      %get3A_137 = tpu.vector_load %arg8[%get3A_135, %get3A_136] {strides = array<i32>} : memref<160x128xi32, #tpu.memory_space<vmem>>, vector<16xi32>,
      %gather3A_138 = tpu.vector_load_idx %arg12[%get3A_137] : memref<10240xf32, #tpu.memory_space<vmem>>[vector<16xi32>], vector<16xf32>,
      %mul3A_139 = arith.mulf %get3A_134, %gather3A_138 : vector<16xf32>
      %swap3A_140 = arith.index_cast %while3A_122 : i32 to index
      %swap3A_141 = arith.constant 16 : index
      %swap3A_142 = tpu.vector_load %arg11[%swap3A_140, %swap3A_141] {strides = array<i32>} : memref<160x128xf32, #tpu.memory_space<vmem>>, vector<16xf32>,
      tpu.vector_store %arg11[%swap3A_140, %swap3A_141], %mul3A_139 {strides = array<i32>} : memref<160x128xf32, #tpu.memory_space<vmem>>, vector<16xf32>,
      %get3A_143 = arith.index_cast %while3A_122 : i32 to index
      %get3A_144 = arith.constant 32 : index
      %get3A_145 = tpu.vector_load %arg10[%get3A_143, %get3A_144] {strides = array<i32>} : memref<160x128xf32, #tpu.memory_space<vmem>>, vector<16xf32>,
      %get3A_146 = arith.index_cast %while3A_122 : i32 to index
      %get3A_147 = arith.constant 32 : index
      %get3A_148 = tpu.vector_load %arg8[%get3A_146, %get3A_147] {strides = array<i32>} : memref<160x128xi32, #tpu.memory_space<vmem>>, vector<16xi32>,
      %gather3A_149 = tpu.vector_load_idx %arg12[%get3A_148] : memref<10240xf32, #tpu.memory_space<vmem>>[vector<16xi32>], vector<16xf32>,
      %mul3A_150 = arith.mulf %get3A_145, %gather3A_149 : vector<16xf32>
      %swap3A_151 = arith.index_cast %while3A_122 : i32 to index
      %swap3A_152 = arith.constant 32 : index
      %swap3A_153 = tpu.vector_load %arg11[%swap3A_151, %swap3A_152] {strides = array<i32>} : memref<160x128xf32, #tpu.memory_space<vmem>>, vector<16xf32>,
      tpu.vector_store %arg11[%swap3A_151, %swap3A_152], %mul3A_150 {strides = array<i32>} : memref<160x128xf32, #tpu.memory_space<vmem>>, vector<16xf32>,
      %get3A_154 = arith.index_cast %while3A_122 : i32 to index
      %get3A_155 = arith.constant 48 : index
      %get3A_156 = tpu.vector_load %arg10[%get3A_154, %get3A_155] {strides = array<i32>} : memref<160x128xf32, #tpu.memory_space<vmem>>, vector<16xf32>,
      %get3A_157 = arith.index_cast %while3A_122 : i32 to index
      %get3A_158 = arith.constant 48 : index
      %get3A_159 = tpu.vector_load %arg8[%get3A_157, %get3A_158] {strides = array<i32>} : memref<160x128xi32, #tpu.memory_space<vmem>>, vector<16xi32>,
      %gather3A_160 = tpu.vector_load_idx %arg12[%get3A_159] : memref<10240xf32, #tpu.memory_space<vmem>>[vector<16xi32>], vector<16xf32>,
      %mul3A_161 = arith.mulf %get3A_156, %gather3A_160 : vector<16xf32>
      %swap3A_162 = arith.index_cast %while3A_122 : i32 to index
      %swap3A_163 = arith.constant 48 : index
      %swap3A_164 = tpu.vector_load %arg11[%swap3A_162, %swap3A_163] {strides = array<i32>} : memref<160x128xf32, #tpu.memory_space<vmem>>, vector<16xf32>,
      tpu.vector_store %arg11[%swap3A_162, %swap3A_163], %mul3A_161 {strides = array<i32>} : memref<160x128xf32, #tpu.memory_space<vmem>>, vector<16xf32>,
      %get3A_165 = arith.index_cast %while3A_122 : i32 to index
      %get3A_166 = arith.constant 64 : index
      %get3A_167 = tpu.vector_load %arg10[%get3A_165, %get3A_166] {strides = array<i32>} : memref<160x128xf32, #tpu.memory_space<vmem>>, vector<16xf32>,
      %get3A_168 = arith.index_cast %while3A_122 : i32 to index
      %get3A_169 = arith.constant 64 : index
      %get3A_170 = tpu.vector_load %arg8[%get3A_168, %get3A_169] {strides = array<i32>} : memref<160x128xi32, #tpu.memory_space<vmem>>, vector<16xi32>,
      %gather3A_171 = tpu.vector_load_idx %arg12[%get3A_170] : memref<10240xf32, #tpu.memory_space<vmem>>[vector<16xi32>], vector<16xf32>,
      %mul3A_172 = arith.mulf %get3A_167, %gather3A_171 : vector<16xf32>
      %swap3A_173 = arith.index_cast %while3A_122 : i32 to index
      %swap3A_174 = arith.constant 64 : index
      %swap3A_175 = tpu.vector_load %arg11[%swap3A_173, %swap3A_174] {strides = array<i32>} : memref<160x128xf32, #tpu.memory_space<vmem>>, vector<16xf32>,
      tpu.vector_store %arg11[%swap3A_173, %swap3A_174], %mul3A_172 {strides = array<i32>} : memref<160x128xf32, #tpu.memory_space<vmem>>, vector<16xf32>,
      %get3A_176 = arith.index_cast %while3A_122 : i32 to index
      %get3A_177 = arith.constant 80 : index
      %get3A_178 = tpu.vector_load %arg10[%get3A_176, %get3A_177] {strides = array<i32>} : memref<160x128xf32, #tpu.memory_space<vmem>>, vector<16xf32>,
      %get3A_179 = arith.index_cast %while3A_122 : i32 to index
      %get3A_180 = arith.constant 80 : index
      %get3A_181 = tpu.vector_load %arg8[%get3A_179, %get3A_180] {strides = array<i32>} : memref<160x128xi32, #tpu.memory_space<vmem>>, vector<16xi32>,
      %gather3A_182 = tpu.vector_load_idx %arg12[%get3A_181] : memref<10240xf32, #tpu.memory_space<vmem>>[vector<16xi32>], vector<16xf32>,
      %mul3A_183 = arith.mulf %get3A_178, %gather3A_182 : vector<16xf32>
      %swap3A_184 = arith.index_cast %while3A_122 : i32 to index
      %swap3A_185 = arith.constant 80 : index
      %swap3A_186 = tpu.vector_load %arg11[%swap3A_184, %swap3A_185] {strides = array<i32>} : memref<160x128xf32, #tpu.memory_space<vmem>>, vector<16xf32>,
      tpu.vector_store %arg11[%swap3A_184, %swap3A_185], %mul3A_183 {strides = array<i32>} : memref<160x128xf32, #tpu.memory_space<vmem>>, vector<16xf32>,
      %get3A_187 = arith.index_cast %while3A_122 : i32 to index
      %get3A_188 = arith.constant 96 : index
      %get3A_189 = tpu.vector_load %arg10[%get3A_187, %get3A_188] {strides = array<i32>} : memref<160x128xf32, #tpu.memory_space<vmem>>, vector<16xf32>,
      %get3A_190 = arith.index_cast %while3A_122 : i32 to index
      %get3A_191 = arith.constant 96 : index
      %get3A_192 = tpu.vector_load %arg8[%get3A_190, %get3A_191] {strides = array<i32>} : memref<160x128xi32, #tpu.memory_space<vmem>>, vector<16xi32>,
      %gather3A_193 = tpu.vector_load_idx %arg12[%get3A_192] : memref<10240xf32, #tpu.memory_space<vmem>>[vector<16xi32>], vector<16xf32>,
      %mul3A_194 = arith.mulf %get3A_189, %gather3A_193 : vector<16xf32>
      %swap3A_195 = arith.index_cast %while3A_122 : i32 to index
      %swap3A_196 = arith.constant 96 : index
      %swap3A_197 = tpu.vector_load %arg11[%swap3A_195, %swap3A_196] {strides = array<i32>} : memref<160x128xf32, #tpu.memory_space<vmem>>, vector<16xf32>,
      tpu.vector_store %arg11[%swap3A_195, %swap3A_196], %mul3A_194 {strides = array<i32>} : memref<160x128xf32, #tpu.memory_space<vmem>>, vector<16xf32>,
      %get3A_198 = arith.index_cast %while3A_122 : i32 to index
      %get3A_199 = arith.constant 112 : index
      %get3A_200 = tpu.vector_load %arg10[%get3A_198, %get3A_199] {strides = array<i32>} : memref<160x128xf32, #tpu.memory_space<vmem>>, vector<16xf32>,
      %get3A_201 = arith.index_cast %while3A_122 : i32 to index
      %get3A_202 = arith.constant 112 : index
      %get3A_203 = tpu.vector_load %arg8[%get3A_201, %get3A_202] {strides = array<i32>} : memref<160x128xi32, #tpu.memory_space<vmem>>, vector<16xi32>,
      %gather3A_204 = tpu.vector_load_idx %arg12[%get3A_203] : memref<10240xf32, #tpu.memory_space<vmem>>[vector<16xi32>], vector<16xf32>,
      %mul3A_205 = arith.mulf %get3A_200, %gather3A_204 : vector<16xf32>
      %swap3A_206 = arith.index_cast %while3A_122 : i32 to index
      %swap3A_207 = arith.constant 112 : index
      %swap3A_208 = tpu.vector_load %arg11[%swap3A_206, %swap3A_207] {strides = array<i32>} : memref<160x128xf32, #tpu.memory_space<vmem>>, vector<16xf32>,
      tpu.vector_store %arg11[%swap3A_206, %swap3A_207], %mul3A_205 {strides = array<i32>} : memref<160x128xf32, #tpu.memory_space<vmem>>, vector<16xf32>,
      %dma_start3A = arith.constant 0 : i32
      %dma_start3A_209 = tpu.memref_slice %arg11[%while3A_122, %dma_start3A] : memref<160x128xf32, #tpu.memory_space<vmem>> -> memref<1x128xf32, #tpu.memory_space<vmem>>
      %dma_start3A_210 = tpu.memref_squeeze %dma_start3A_209 : memref<1x128xf32, #tpu.memory_space<vmem>> -> memref<128xf32, #tpu.memory_space<vmem>>
      %dma_start3A_211 = arith.constant 0 : i32
      %dma_start3A_212 = tpu.memref_slice %arg9[%while3A_122, %dma_start3A_211] : memref<160x128xi32, #tpu.memory_space<vmem>> -> memref<1x128xi32, #tpu.memory_space<vmem>>
      %dma_start3A_213 = tpu.memref_squeeze %dma_start3A_212 : memref<1x128xi32, #tpu.memory_space<vmem>> -> memref<128xi32, #tpu.memory_space<vmem>>
      %dma_start3A_214 = arith.constant 0 : i32
      %dma_start3A_215 = tpu.memref_slice %arg18[%dma_start3A_214] : memref<10240xf32, #tpu.memory_space<vmem_shared>> -> memref<10240xf32, #tpu.memory_space<vmem_shared>>
      tpu.enqueue_indirect_dma source(%dma_start3A_210 : memref<128xf32, #tpu.memory_space<vmem>>) target(%dma_start3A_215 : memref<10240xf32, #tpu.memory_space<vmem_shared>>) offsets(%dma_start3A_213 : memref<128xi32, #tpu.memory_space<vmem>>) semaphore(%arg20 : memref<!tpu.dma_semaphore, #tpu.memory_space<semaphore_mem>>) {add = true}
    }
    %while3A_95 = arith.constant 1 : i32
    scf.for %while3A_122 = %while3A_93 to %while3A_89 step %while3A_95  : i32 {
      %get3A_123 = arith.index_cast %while3A_122 : i32 to index
      %get3A_124 = arith.constant 0 : index
      %get3A_125 = tpu.vector_load %arg10[%get3A_123, %get3A_124] {strides = array<i32>} : memref<160x128xf32, #tpu.memory_space<vmem>>, vector<16xf32>,
      %get3A_126 = arith.index_cast %while3A_122 : i32 to index
      %get3A_127 = arith.constant 0 : index
      %get3A_128 = tpu.vector_load %arg8[%get3A_126, %get3A_127] {strides = array<i32>} : memref<160x128xi32, #tpu.memory_space<vmem>>, vector<16xi32>,
      %gather3A = tpu.vector_load_idx %arg12[%get3A_128] : memref<10240xf32, #tpu.memory_space<vmem>>[vector<16xi32>], vector<16xf32>,
      %mul3A_129 = arith.mulf %get3A_125, %gather3A : vector<16xf32>
      %swap3A = arith.index_cast %while3A_122 : i32 to index
      %swap3A_130 = arith.constant 0 : index
      %swap3A_131 = tpu.vector_load %arg11[%swap3A, %swap3A_130] {strides = array<i32>} : memref<160x128xf32, #tpu.memory_space<vmem>>, vector<16xf32>,
      tpu.vector_store %arg11[%swap3A, %swap3A_130], %mul3A_129 {strides = array<i32>} : memref<160x128xf32, #tpu.memory_space<vmem>>, vector<16xf32>,
      %get3A_132 = arith.index_cast %while3A_122 : i32 to index
      %get3A_133 = arith.constant 16 : index
      %get3A_134 = tpu.vector_load %arg10[%get3A_132, %get3A_133] {strides = array<i32>} : memref<160x128xf32, #tpu.memory_space<vmem>>, vector<16xf32>,
      %get3A_135 = arith.index_cast %while3A_122 : i32 to index
      %get3A_136 = arith.constant 16 : index
      %get3A_137 = tpu.vector_load %arg8[%get3A_135, %get3A_136] {strides = array<i32>} : memref<160x128xi32, #tpu.memory_space<vmem>>, vector<16xi32>,
      %gather3A_138 = tpu.vector_load_idx %arg12[%get3A_137] : memref<10240xf32, #tpu.memory_space<vmem>>[vector<16xi32>], vector<16xf32>,
      %mul3A_139 = arith.mulf %get3A_134, %gather3A_138 : vector<16xf32>
      %swap3A_140 = arith.index_cast %while3A_122 : i32 to index
      %swap3A_141 = arith.constant 16 : index
      %swap3A_142 = tpu.vector_load %arg11[%swap3A_140, %swap3A_141] {strides = array<i32>} : memref<160x128xf32, #tpu.memory_space<vmem>>, vector<16xf32>,
      tpu.vector_store %arg11[%swap3A_140, %swap3A_141], %mul3A_139 {strides = array<i32>} : memref<160x128xf32, #tpu.memory_space<vmem>>, vector<16xf32>,
      %get3A_143 = arith.index_cast %while3A_122 : i32 to index
      %get3A_144 = arith.constant 32 : index
      %get3A_145 = tpu.vector_load %arg10[%get3A_143, %get3A_144] {strides = array<i32>} : memref<160x128xf32, #tpu.memory_space<vmem>>, vector<16xf32>,
      %get3A_146 = arith.index_cast %while3A_122 : i32 to index
      %get3A_147 = arith.constant 32 : index
      %get3A_148 = tpu.vector_load %arg8[%get3A_146, %get3A_147] {strides = array<i32>} : memref<160x128xi32, #tpu.memory_space<vmem>>, vector<16xi32>,
      %gather3A_149 = tpu.vector_load_idx %arg12[%get3A_148] : memref<10240xf32, #tpu.memory_space<vmem>>[vector<16xi32>], vector<16xf32>,
      %mul3A_150 = arith.mulf %get3A_145, %gather3A_149 : vector<16xf32>
      %swap3A_151 = arith.index_cast %while3A_122 : i32 to index
      %swap3A_152 = arith.constant 32 : index
      %swap3A_153 = tpu.vector_load %arg11[%swap3A_151, %swap3A_152] {strides = array<i32>} : memref<160x128xf32, #tpu.memory_space<vmem>>, vector<16xf32>,
      tpu.vector_store %arg11[%swap3A_151, %swap3A_152], %mul3A_150 {strides = array<i32>} : memref<160x128xf32, #tpu.memory_space<vmem>>, vector<16xf32>,
      %get3A_154 = arith.index_cast %while3A_122 : i32 to index
      %get3A_155 = arith.constant 48 : index
      %get3A_156 = tpu.vector_load %arg10[%get3A_154, %get3A_155] {strides = array<i32>} : memref<160x128xf32, #tpu.memory_space<vmem>>, vector<16xf32>,
      %get3A_157 = arith.index_cast %while3A_122 : i32 to index
      %get3A_158 = arith.constant 48 : index
      %get3A_159 = tpu.vector_load %arg8[%get3A_157, %get3A_158] {strides = array<i32>} : memref<160x128xi32, #tpu.memory_space<vmem>>, vector<16xi32>,
      %gather3A_160 = tpu.vector_load_idx %arg12[%get3A_159] : memref<10240xf32, #tpu.memory_space<vmem>>[vector<16xi32>], vector<16xf32>,
      %mul3A_161 = arith.mulf %get3A_156, %gather3A_160 : vector<16xf32>
      %swap3A_162 = arith.index_cast %while3A_122 : i32 to index
      %swap3A_163 = arith.constant 48 : index
      %swap3A_164 = tpu.vector_load %arg11[%swap3A_162, %swap3A_163] {strides = array<i32>} : memref<160x128xf32, #tpu.memory_space<vmem>>, vector<16xf32>,
      tpu.vector_store %arg11[%swap3A_162, %swap3A_163], %mul3A_161 {strides = array<i32>} : memref<160x128xf32, #tpu.memory_space<vmem>>, vector<16xf32>,
      %get3A_165 = arith.index_cast %while3A_122 : i32 to index
      %get3A_166 = arith.constant 64 : index
      %get3A_167 = tpu.vector_load %arg10[%get3A_165, %get3A_166] {strides = array<i32>} : memref<160x128xf32, #tpu.memory_space<vmem>>, vector<16xf32>,
      %get3A_168 = arith.index_cast %while3A_122 : i32 to index
      %get3A_169 = arith.constant 64 : index
      %get3A_170 = tpu.vector_load %arg8[%get3A_168, %get3A_169] {strides = array<i32>} : memref<160x128xi32, #tpu.memory_space<vmem>>, vector<16xi32>,
      %gather3A_171 = tpu.vector_load_idx %arg12[%get3A_170] : memref<10240xf32, #tpu.memory_space<vmem>>[vector<16xi32>], vector<16xf32>,
      %mul3A_172 = arith.mulf %get3A_167, %gather3A_171 : vector<16xf32>
      %swap3A_173 = arith.index_cast %while3A_122 : i32 to index
      %swap3A_174 = arith.constant 64 : index
      %swap3A_175 = tpu.vector_load %arg11[%swap3A_173, %swap3A_174] {strides = array<i32>} : memref<160x128xf32, #tpu.memory_space<vmem>>, vector<16xf32>,
      tpu.vector_store %arg11[%swap3A_173, %swap3A_174], %mul3A_172 {strides = array<i32>} : memref<160x128xf32, #tpu.memory_space<vmem>>, vector<16xf32>,
      %get3A_176 = arith.index_cast %while3A_122 : i32 to index
      %get3A_177 = arith.constant 80 : index
      %get3A_178 = tpu.vector_load %arg10[%get3A_176, %get3A_177] {strides = array<i32>} : memref<160x128xf32, #tpu.memory_space<vmem>>, vector<16xf32>,
      %get3A_179 = arith.index_cast %while3A_122 : i32 to index
      %get3A_180 = arith.constant 80 : index
      %get3A_181 = tpu.vector_load %arg8[%get3A_179, %get3A_180] {strides = array<i32>} : memref<160x128xi32, #tpu.memory_space<vmem>>, vector<16xi32>,
      %gather3A_182 = tpu.vector_load_idx %arg12[%get3A_181] : memref<10240xf32, #tpu.memory_space<vmem>>[vector<16xi32>], vector<16xf32>,
      %mul3A_183 = arith.mulf %get3A_178, %gather3A_182 : vector<16xf32>
      %swap3A_184 = arith.index_cast %while3A_122 : i32 to index
      %swap3A_185 = arith.constant 80 : index
      %swap3A_186 = tpu.vector_load %arg11[%swap3A_184, %swap3A_185] {strides = array<i32>} : memref<160x128xf32, #tpu.memory_space<vmem>>, vector<16xf32>,
      tpu.vector_store %arg11[%swap3A_184, %swap3A_185], %mul3A_183 {strides = array<i32>} : memref<160x128xf32, #tpu.memory_space<vmem>>, vector<16xf32>,
      %get3A_187 = arith.index_cast %while3A_122 : i32 to index
      %get3A_188 = arith.constant 96 : index
      %get3A_189 = tpu.vector_load %arg10[%get3A_187, %get3A_188] {strides = array<i32>} : memref<160x128xf32, #tpu.memory_space<vmem>>, vector<16xf32>,
      %get3A_190 = arith.index_cast %while3A_122 : i32 to index
      %get3A_191 = arith.constant 96 : index
      %get3A_192 = tpu.vector_load %arg8[%get3A_190, %get3A_191] {strides = array<i32>} : memref<160x128xi32, #tpu.memory_space<vmem>>, vector<16xi32>,
      %gather3A_193 = tpu.vector_load_idx %arg12[%get3A_192] : memref<10240xf32, #tpu.memory_space<vmem>>[vector<16xi32>], vector<16xf32>,
      %mul3A_194 = arith.mulf %get3A_189, %gather3A_193 : vector<16xf32>
      %swap3A_195 = arith.index_cast %while3A_122 : i32 to index
      %swap3A_196 = arith.constant 96 : index
      %swap3A_197 = tpu.vector_load %arg11[%swap3A_195, %swap3A_196] {strides = array<i32>} : memref<160x128xf32, #tpu.memory_space<vmem>>, vector<16xf32>,
      tpu.vector_store %arg11[%swap3A_195, %swap3A_196], %mul3A_194 {strides = array<i32>} : memref<160x128xf32, #tpu.memory_space<vmem>>, vector<16xf32>,
      %get3A_198 = arith.index_cast %while3A_122 : i32 to index
      %get3A_199 = arith.constant 112 : index
      %get3A_200 = tpu.vector_load %arg10[%get3A_198, %get3A_199] {strides = array<i32>} : memref<160x128xf32, #tpu.memory_space<vmem>>, vector<16xf32>,
      %get3A_201 = arith.index_cast %while3A_122 : i32 to index
      %get3A_202 = arith.constant 112 : index
      %get3A_203 = tpu.vector_load %arg8[%get3A_201, %get3A_202] {strides = array<i32>} : memref<160x128xi32, #tpu.memory_space<vmem>>, vector<16xi32>,
      %gather3A_204 = tpu.vector_load_idx %arg12[%get3A_203] : memref<10240xf32, #tpu.memory_space<vmem>>[vector<16xi32>], vector<16xf32>,
      %mul3A_205 = arith.mulf %get3A_200, %gather3A_204 : vector<16xf32>
      %swap3A_206 = arith.index_cast %while3A_122 : i32 to index
      %swap3A_207 = arith.constant 112 : index
      %swap3A_208 = tpu.vector_load %arg11[%swap3A_206, %swap3A_207] {strides = array<i32>} : memref<160x128xf32, #tpu.memory_space<vmem>>, vector<16xf32>,
      tpu.vector_store %arg11[%swap3A_206, %swap3A_207], %mul3A_205 {strides = array<i32>} : memref<160x128xf32, #tpu.memory_space<vmem>>, vector<16xf32>,
      %dma_start3A = arith.constant 0 : i32
      %dma_start3A_209 = tpu.memref_slice %arg11[%while3A_122, %dma_start3A] : memref<160x128xf32, #tpu.memory_space<vmem>> -> memref<1x128xf32, #tpu.memory_space<vmem>>
      %dma_start3A_210 = tpu.memref_squeeze %dma_start3A_209 : memref<1x128xf32, #tpu.memory_space<vmem>> -> memref<128xf32, #tpu.memory_space<vmem>>
      %dma_start3A_211 = arith.constant 0 : i32
      %dma_start3A_212 = tpu.memref_slice %arg9[%while3A_122, %dma_start3A_211] : memref<160x128xi32, #tpu.memory_space<vmem>> -> memref<1x128xi32, #tpu.memory_space<vmem>>
      %dma_start3A_213 = tpu.memref_squeeze %dma_start3A_212 : memref<1x128xi32, #tpu.memory_space<vmem>> -> memref<128xi32, #tpu.memory_space<vmem>>
      %dma_start3A_214 = arith.constant 0 : i32
      %dma_start3A_215 = tpu.memref_slice %arg18[%dma_start3A_214] : memref<10240xf32, #tpu.memory_space<vmem_shared>> -> memref<10240xf32, #tpu.memory_space<vmem_shared>>
      tpu.enqueue_indirect_dma source(%dma_start3A_210 : memref<128xf32, #tpu.memory_space<vmem>>) target(%dma_start3A_215 : memref<10240xf32, #tpu.memory_space<vmem_shared>>) offsets(%dma_start3A_213 : memref<128xi32, #tpu.memory_space<vmem>>) semaphore(%arg20 : memref<!tpu.dma_semaphore, #tpu.memory_space<semaphore_mem>>) {add = true}
    }
    %lt3A_96 = arith.constant 15 : i32
    %lt3A_97 = arith.cmpi slt, %arg1, %lt3A_96 : i32
    %convert_element_type3A_98 = arith.extui %lt3A_97 : i1 to i32
    %cond3A_99 = arith.constant 0 : i32
    %cond3A_100 = arith.cmpi ne, %convert_element_type3A_98, %cond3A_99 : i32
    scf.if %cond3A_100 {
      %dma_wait3A = arith.constant 0 : i32
      %dma_wait3A_122 = arith.constant 0 : i32
      %dma_wait3A_123 = tpu.memref_slice %arg4[%dma_wait3A, %dma_wait3A_122] : memref<2500x128xf32, #tpu.memory_space<hbm>> -> memref<160x128xf32, #tpu.memory_space<hbm>>
      %dma_wait3A_124 = arith.constant 0 : i32
      %dma_wait3A_125 = arith.constant 0 : i32
      %dma_wait3A_126 = tpu.memref_slice %arg4[%dma_wait3A_124, %dma_wait3A_125] : memref<2500x128xf32, #tpu.memory_space<hbm>> -> memref<160x128xf32, #tpu.memory_space<hbm>>
      tpu.wait_dma2 semaphore(%arg20 : memref<!tpu.dma_semaphore, #tpu.memory_space<semaphore_mem>>) src(%dma_wait3A_126 : memref<160x128xf32, #tpu.memory_space<hbm>>) dst(%arg11 : memref<160x128xf32, #tpu.memory_space<vmem>>)
    } else {
    }
    %eq3A_101 = arith.constant 15 : i32
    %eq3A_102 = arith.cmpi eq, %arg1, %eq3A_101 : i32
    %convert_element_type3A_103 = arith.extui %eq3A_102 : i1 to i32
    %cond3A_104 = arith.constant 0 : i32
    %cond3A_105 = arith.cmpi ne, %convert_element_type3A_103, %cond3A_104 : i32
    scf.if %cond3A_105 {
      %dma_wait3A = arith.constant 0 : i32
      %dma_wait3A_122 = arith.constant 0 : i32
      %dma_wait3A_123 = tpu.memref_slice %arg11[%dma_wait3A, %dma_wait3A_122] : memref<160x128xf32, #tpu.memory_space<vmem>> -> memref<100x128xf32, #tpu.memory_space<vmem>>
      %dma_wait3A_124 = arith.constant 0 : i32
      %dma_wait3A_125 = arith.constant 0 : i32
      %dma_wait3A_126 = tpu.memref_slice %arg4[%dma_wait3A_124, %dma_wait3A_125] : memref<2500x128xf32, #tpu.memory_space<hbm>> -> memref<100x128xf32, #tpu.memory_space<hbm>>
      %dma_wait3A_127 = arith.constant 0 : i32
      %dma_wait3A_128 = arith.constant 0 : i32
      %dma_wait3A_129 = tpu.memref_slice %arg11[%dma_wait3A_127, %dma_wait3A_128] : memref<160x128xf32, #tpu.memory_space<vmem>> -> memref<100x128xf32, #tpu.memory_space<vmem>>
      %dma_wait3A_130 = arith.constant 0 : i32
      %dma_wait3A_131 = arith.constant 0 : i32
      %dma_wait3A_132 = tpu.memref_slice %arg4[%dma_wait3A_130, %dma_wait3A_131] : memref<2500x128xf32, #tpu.memory_space<hbm>> -> memref<100x128xf32, #tpu.memory_space<hbm>>
      tpu.wait_dma2 semaphore(%arg20 : memref<!tpu.dma_semaphore, #tpu.memory_space<semaphore_mem>>) src(%dma_wait3A_132 : memref<100x128xf32, #tpu.memory_space<hbm>>) dst(%dma_wait3A_129 : memref<100x128xf32, #tpu.memory_space<vmem>>)
    } else {
    }
    %barrier3A_106 = arith.constant 0 : index
    tpu.barrier barrier_id(%barrier3A_106)
    "tpu.region"() ({
      %run_scoped3A = tpu.sem_alloc : memref<!tpu.dma_semaphore, #tpu.memory_space<semaphore_mem>>
      %dma_start3A = tpu.memref_slice %arg18[%mul3A_0] : memref<10240xf32, #tpu.memory_space<vmem_shared>> -> memref<640xf32, #tpu.memory_space<vmem_shared>>
      %dma_start3A_122 = tpu.memref_slice %arg18[%mul3A_0] : memref<10240xf32, #tpu.memory_space<vmem_shared>> -> memref<640xf32, #tpu.memory_space<vmem_shared>>
      tpu.enqueue_dma source(%dma_start3A_122 : memref<640xf32, #tpu.memory_space<vmem_shared>>) target(%arg15 : memref<640xf32, #tpu.memory_space<vmem>>) target_semaphore(%run_scoped3A : memref<!tpu.dma_semaphore, #tpu.memory_space<semaphore_mem>>)
      %dma_wait3A = tpu.memref_slice %arg18[%mul3A_0] : memref<10240xf32, #tpu.memory_space<vmem_shared>> -> memref<640xf32, #tpu.memory_space<vmem_shared>>
      %dma_wait3A_123 = tpu.memref_slice %arg18[%mul3A_0] : memref<10240xf32, #tpu.memory_space<vmem_shared>> -> memref<640xf32, #tpu.memory_space<vmem_shared>>
      tpu.wait_dma2 semaphore(%run_scoped3A : memref<!tpu.dma_semaphore, #tpu.memory_space<semaphore_mem>>) src(%dma_wait3A_123 : memref<640xf32, #tpu.memory_space<vmem_shared>>) dst(%arg15 : memref<640xf32, #tpu.memory_space<vmem>>)
      tpu.yield
    }) : () -> ()
    %get3A_107 = arith.constant 0 : i32
    %get3A_108 = arith.index_cast %get3A_107 : i32 to index
    %get3A_109 = arith.constant 16 : index
    %get3A_110 = tpu.vector_load %arg17[%get3A_108, %get3A_109] {strides = array<i32>} : memref<1x128xf32, #tpu.memory_space<vmem>>, vector<16xf32>,
    %scan3A_111 = arith.constant 0 : i32
    %scan3A_112 = arith.constant 0 : i32
    %scan3A_113 = arith.constant 40 : i32
    %scan3A_114 = arith.addi %scan3A_112, %scan3A_113 : i32
    %scan3A_115 = arith.constant 1 : i32
    scf.for %scan3A_122 = %scan3A_112 to %scan3A_114 step %scan3A_115  : i32 {
      %mul3A_123 = arith.constant 16 : i32
      %mul3A_124 = arith.muli %scan3A_122, %mul3A_123 : i32
      %get3A_125 = arith.index_cast %mul3A_124 : i32 to index
      %get3A_126 = tpu.vector_load %arg13[%get3A_125] {strides = array<i32>} : memref<640xf32, #tpu.memory_space<vmem>>, vector<16xf32>,
      %get3A_127 = arith.index_cast %mul3A_124 : i32 to index
      %get3A_128 = tpu.vector_load %arg15[%get3A_127] {strides = array<i32>} : memref<640xf32, #tpu.memory_space<vmem>>, vector<16xf32>,
      %get3A_129 = arith.index_cast %mul3A_124 : i32 to index
      %get3A_130 = tpu.vector_load %arg14[%get3A_129] {strides = array<i32>} : memref<640xf32, #tpu.memory_space<vmem>>, vector<16xf32>,
      %add3A = arith.addf %get3A_128, %get3A_130 : vector<16xf32>
      %mul3A_131 = arith.mulf %get3A_126, %add3A : vector<16xf32>
      %add3A_132 = arith.addf %mul3A_131, %get3A_110 : vector<16xf32>
      %neg3A = arith.constant 0.000000e+00 : f32
      %neg3A_133 = vector.broadcast %neg3A : f32 to vector<16xf32>
      %neg3A_134 = arith.subf %neg3A_133, %add3A_132 : vector<16xf32>
      %exp3A = math.exp %neg3A_134 : vector<16xf32>
      %add3A_135 = arith.constant 1.000000e+00 : f32
      %add3A_136 = vector.broadcast %add3A_135 : f32 to vector<16xf32>
      %add3A_137 = arith.addf %add3A_136, %exp3A : vector<16xf32>
      %div3A = arith.constant 1.000000e+01 : f32
      %div3A_138 = vector.broadcast %div3A : f32 to vector<16xf32>
      %div3A_139 = arith.divf %div3A_138, %add3A_137 : vector<16xf32>
      %swap3A = arith.index_cast %mul3A_124 : i32 to index
      %swap3A_140 = tpu.vector_load %arg14[%swap3A] {strides = array<i32>} : memref<640xf32, #tpu.memory_space<vmem>>, vector<16xf32>,
      tpu.vector_store %arg14[%swap3A], %div3A_139 {strides = array<i32>} : memref<640xf32, #tpu.memory_space<vmem>>, vector<16xf32>,
    }
    %scan3A_116 = arith.constant 40 : i32
    %eq3A_117 = arith.constant 0 : i32
    %eq3A_118 = arith.cmpi eq, %arg0, %eq3A_117 : i32
    %convert_element_type3A_119 = arith.extui %eq3A_118 : i1 to i32
    %cond3A_120 = arith.constant 0 : i32
    %cond3A_121 = arith.cmpi ne, %convert_element_type3A_119, %cond3A_120 : i32
    scf.if %cond3A_121 {
      "tpu.region"() ({
        %run_scoped3A = tpu.sem_alloc : memref<!tpu.dma_semaphore, #tpu.memory_space<semaphore_mem>>
        %dma_start3A = tpu.memref_slice %arg7[%mul3A_0] : memref<10240xf32, #tpu.memory_space<hbm>> -> memref<640xf32, #tpu.memory_space<hbm>>
        %dma_start3A_122 = tpu.memref_slice %arg7[%mul3A_0] : memref<10240xf32, #tpu.memory_space<hbm>> -> memref<640xf32, #tpu.memory_space<hbm>>
        tpu.enqueue_dma source(%arg14 : memref<640xf32, #tpu.memory_space<vmem>>) target(%dma_start3A_122 : memref<640xf32, #tpu.memory_space<hbm>>) target_semaphore(%run_scoped3A : memref<!tpu.dma_semaphore, #tpu.memory_space<semaphore_mem>>)
        %dma_wait3A = tpu.memref_slice %arg7[%mul3A_0] : memref<10240xf32, #tpu.memory_space<hbm>> -> memref<640xf32, #tpu.memory_space<hbm>>
        %dma_wait3A_123 = tpu.memref_slice %arg7[%mul3A_0] : memref<10240xf32, #tpu.memory_space<hbm>> -> memref<640xf32, #tpu.memory_space<hbm>>
        tpu.wait_dma2 semaphore(%run_scoped3A : memref<!tpu.dma_semaphore, #tpu.memory_space<semaphore_mem>>) src(%arg14 : memref<640xf32, #tpu.memory_space<vmem>>) dst(%dma_wait3A_123 : memref<640xf32, #tpu.memory_space<hbm>>)
        tpu.yield
      }) : () -> ()
    } else {
    }
    return
  }
}

module attributes {stable_mosaic.version = 14 : i64} {
  func.func @_tc_matvec(%arg0: i32, %arg1: memref<1000x128xf32, #tpu.memory_space<vmem>>, %arg2: memref<128x128xf32, #tpu.memory_space<vmem>>, %arg3: memref<128x128xf32, #tpu.memory_space<vmem>>, %arg4: memref<128x1xf32, #tpu.memory_space<vmem>>, %arg5: memref<1x128xf32, #tpu.memory_space<vmem>>, %arg6: memref<1x128xf32, #tpu.memory_space<vmem>>, %arg7: memref<1x1xf32, #tpu.memory_space<vmem>>, %arg8: memref<1000x1xf32, #tpu.memory_space<vmem>>, %arg9: memref<1x128xf32, #tpu.memory_space<vmem>>) attributes {dimension_semantics = [#tpu.dimension_semantics<arbitrary>], iteration_bounds = array<i64: 10>, scalar_prefetch = 0 : i64, scratch_operands = 0 : i64, tpu.core_type = #tpu.core_type<tc>, window_params = [{transform_indices = @transform_0, window_bounds = array<i64: 1000, 128>}, {pipeline_mode = #tpu.pipeline_mode<synchronous>, transform_indices = @transform_1, window_bounds = array<i64: 128, 128>}, {pipeline_mode = #tpu.pipeline_mode<synchronous>, transform_indices = @transform_2, window_bounds = array<i64: 128, 128>}, {pipeline_mode = #tpu.pipeline_mode<synchronous>, transform_indices = @transform_3, window_bounds = array<i64: 128, 1>}, {pipeline_mode = #tpu.pipeline_mode<synchronous>, transform_indices = @transform_4, window_bounds = array<i64: 1, 128>}, {pipeline_mode = #tpu.pipeline_mode<synchronous>, transform_indices = @transform_5, window_bounds = array<i64: 1, 128>}, {pipeline_mode = #tpu.pipeline_mode<synchronous>, transform_indices = @transform_6, window_bounds = array<i64: 1, 1>}, {transform_indices = @transform_7, window_bounds = array<i64: 1000, 1>}, {pipeline_mode = #tpu.pipeline_mode<synchronous>, transform_indices = @transform_8, window_bounds = array<i64: 1, 128>}]} {
    %get3A = arith.constant 0 : index
    %get3A_0 = arith.constant 0 : index
    %get3A_1 = vector.load %arg3[%get3A, %get3A_0] : memref<128x128xf32, #tpu.memory_space<vmem>>, vector<128x128xf32>
    %get3A_2 = arith.constant 0 : index
    %get3A_3 = arith.constant 0 : index
    %get3A_4 = vector.load %arg4[%get3A_2, %get3A_3] : memref<128x1xf32, #tpu.memory_space<vmem>>, vector<128x1xf32>
    %dot_general3A = arith.constant dense<0.000000e+00> : vector<128x1xf32>
    %dot_general3A_5 = tpu.matmul %get3A_1, %get3A_4, %dot_general3A {dimension_numbers = #tpu.dot_dimension_numbers<[1], [0], [0], [1], [0, 0, 1, 1], [], []>, transpose_lhs_hint = false} : vector<128x128xf32>, vector<128x1xf32>, vector<128x1xf32> -> vector<128x1xf32>
    %get3A_6 = arith.constant 0 : index
    %get3A_7 = arith.constant 0 : index
    %get3A_8 = vector.load %arg2[%get3A_6, %get3A_7] : memref<128x128xf32, #tpu.memory_space<vmem>>, vector<128x128xf32>
    %dot_general3A_9 = arith.constant dense<0.000000e+00> : vector<128x1xf32>
    %dot_general3A_10 = tpu.matmul %get3A_8, %dot_general3A_5, %dot_general3A_9 {dimension_numbers = #tpu.dot_dimension_numbers<[1], [0], [0], [1], [0, 0, 1, 1], [], []>, transpose_lhs_hint = false} : vector<128x128xf32>, vector<128x1xf32>, vector<128x1xf32> -> vector<128x1xf32>
    %get3A_11 = arith.constant 0 : index
    %get3A_12 = arith.constant 0 : index
    %get3A_13 = vector.load %arg1[%get3A_11, %get3A_12] : memref<1000x128xf32, #tpu.memory_space<vmem>>, vector<1000x128xf32>
    %dot_general3A_14 = arith.constant dense<0.000000e+00> : vector<1000x1xf32>
    %dot_general3A_15 = tpu.matmul %get3A_13, %dot_general3A_10, %dot_general3A_14 {dimension_numbers = #tpu.dot_dimension_numbers<[1], [0], [0], [1], [0, 0, 1, 1], [], []>, transpose_lhs_hint = false} : vector<1000x128xf32>, vector<128x1xf32>, vector<1000x1xf32> -> vector<1000x1xf32>
    %swap3A = arith.constant 0 : index
    %swap3A_16 = arith.constant 0 : index
    %swap3A_17 = vector.load %arg8[%swap3A, %swap3A_16] : memref<1000x1xf32, #tpu.memory_space<vmem>>, vector<1000x1xf32>
    tpu.vector_store %arg8[%swap3A, %swap3A_16], %dot_general3A_15 {strides = array<i32>} : memref<1000x1xf32, #tpu.memory_space<vmem>>, vector<1000x1xf32>,
    %get3A_18 = arith.constant 0 : index
    %get3A_19 = arith.constant 0 : index
    %get3A_20 = vector.load %arg5[%get3A_18, %get3A_19] : memref<1x128xf32, #tpu.memory_space<vmem>>, vector<1x128xf32>
    %squeeze3A = vector.shape_cast %dot_general3A_5 : vector<128x1xf32> to vector<128xf32>
    %broadcast_in_dim3A = vector.shape_cast %squeeze3A : vector<128xf32> to vector<1x128xf32>
    %mul3A = arith.mulf %get3A_20, %broadcast_in_dim3A : vector<1x128xf32>
    %reduce_sum3A = vector.shape_cast %mul3A : vector<1x128xf32> to vector<1x1x128xf32>
    %reduce_sum3A_21 = arith.constant dense<0.000000e+00> : vector<1xf32>
    %reduce_sum3A_22 = vector.multi_reduction <add>, %reduce_sum3A, %reduce_sum3A_21 [1, 2] : vector<1x1x128xf32> to vector<1xf32>
    %reduce_sum3A_23 = vector.shape_cast %reduce_sum3A_22 : vector<1xf32> to vector<1x1x1xf32>
    %reduce_sum3A_24 = vector.extract %reduce_sum3A_23[0, 0, 0] : f32 from vector<1x1x1xf32>
    %get3A_25 = arith.constant 0 : index
    %get3A_26 = arith.constant 0 : index
    %get3A_27 = vector.load %arg6[%get3A_25, %get3A_26] : memref<1x128xf32, #tpu.memory_space<vmem>>, vector<1x128xf32>
    %get3A_28 = arith.constant 0 : index
    %get3A_29 = arith.constant 0 : index
    %get3A_30 = vector.load %arg4[%get3A_28, %get3A_29] : memref<128x1xf32, #tpu.memory_space<vmem>>, vector<128x1xf32>
    %squeeze3A_31 = vector.shape_cast %get3A_30 : vector<128x1xf32> to vector<128xf32>
    %broadcast_in_dim3A_32 = vector.shape_cast %squeeze3A_31 : vector<128xf32> to vector<1x128xf32>
    %mul3A_33 = arith.mulf %get3A_27, %broadcast_in_dim3A_32 : vector<1x128xf32>
    %reduce_sum3A_34 = vector.shape_cast %mul3A_33 : vector<1x128xf32> to vector<1x1x128xf32>
    %reduce_sum3A_35 = arith.constant dense<0.000000e+00> : vector<1xf32>
    %reduce_sum3A_36 = vector.multi_reduction <add>, %reduce_sum3A_34, %reduce_sum3A_35 [1, 2] : vector<1x1x128xf32> to vector<1xf32>
    %reduce_sum3A_37 = vector.shape_cast %reduce_sum3A_36 : vector<1xf32> to vector<1x1x1xf32>
    %reduce_sum3A_38 = vector.extract %reduce_sum3A_37[0, 0, 0] : f32 from vector<1x1x1xf32>
    %get3A_39 = arith.constant 0 : index
    %get3A_40 = arith.constant 0 : index
    %get3A_41 = vector.load %arg7[%get3A_39, %get3A_40] : memref<1x1xf32, #tpu.memory_space<vmem>>, vector<1x1xf32>
    %get3A_42 = vector.extract %get3A_41[0, 0] : f32 from vector<1x1xf32>
    %add3A = arith.addf %reduce_sum3A_38, %get3A_42 : f32
    %iota3A = tpu.iota {dimensions = array<i32: 1>} : vector<1x128xi32>
    %lt3A = arith.constant 16 : i32
    %lt3A_43 = vector.broadcast %lt3A : i32 to vector<1x128xi32>
    %lt3A_44 = arith.cmpi slt, %iota3A, %lt3A_43 : vector<1x128xi32>
    %broadcast_in_dim3A_45 = vector.broadcast %reduce_sum3A_24 : f32 to vector<1x128xf32>
    %broadcast_in_dim3A_46 = vector.broadcast %add3A : f32 to vector<1x128xf32>
    %select_n3A = arith.select %lt3A_44, %broadcast_in_dim3A_45, %broadcast_in_dim3A_46 : vector<1x128xi1>, vector<1x128xf32>
    %swap3A_47 = arith.constant 0 : index
    %swap3A_48 = arith.constant 0 : index
    %swap3A_49 = vector.load %arg9[%swap3A_47, %swap3A_48] : memref<1x128xf32, #tpu.memory_space<vmem>>, vector<1x128xf32>
    tpu.vector_store %arg9[%swap3A_47, %swap3A_48], %select_n3A {strides = array<i32>} : memref<1x128xf32, #tpu.memory_space<vmem>>, vector<1x128xf32>,
    return
  }
  func.func @transform_0(%arg0: i32) -> (i32, i32) {
    %c0_i32 = arith.constant 0 : i32
    %c0_i32_0 = arith.constant 0 : i32
    return %arg0, %c0_i32 : i32, i32
  }
  func.func @transform_1(%arg0: i32) -> (i32, i32) {
    %c0_i32 = arith.constant 0 : i32
    %c0_i32_0 = arith.constant 0 : i32
    %c0_i32_1 = arith.constant 0 : i32
    return %c0_i32, %c0_i32_0 : i32, i32
  }
  func.func @transform_2(%arg0: i32) -> (i32, i32) {
    %c0_i32 = arith.constant 0 : i32
    %c0_i32_0 = arith.constant 0 : i32
    %c0_i32_1 = arith.constant 0 : i32
    return %c0_i32, %c0_i32_0 : i32, i32
  }
  func.func @transform_3(%arg0: i32) -> (i32, i32) {
    %c0_i32 = arith.constant 0 : i32
    %c0_i32_0 = arith.constant 0 : i32
    %c0_i32_1 = arith.constant 0 : i32
    return %c0_i32, %c0_i32_0 : i32, i32
  }
  func.func @transform_4(%arg0: i32) -> (i32, i32) {
    %c0_i32 = arith.constant 0 : i32
    %c0_i32_0 = arith.constant 0 : i32
    %c0_i32_1 = arith.constant 0 : i32
    return %c0_i32, %c0_i32_0 : i32, i32
  }
  func.func @transform_5(%arg0: i32) -> (i32, i32) {
    %c0_i32 = arith.constant 0 : i32
    %c0_i32_0 = arith.constant 0 : i32
    %c0_i32_1 = arith.constant 0 : i32
    return %c0_i32, %c0_i32_0 : i32, i32
  }
  func.func @transform_6(%arg0: i32) -> (i32, i32) {
    %c0_i32 = arith.constant 0 : i32
    %c0_i32_0 = arith.constant 0 : i32
    %c0_i32_1 = arith.constant 0 : i32
    return %c0_i32, %c0_i32_0 : i32, i32
  }
  func.func @transform_7(%arg0: i32) -> (i32, i32) {
    %c0_i32 = arith.constant 0 : i32
    %c0_i32_0 = arith.constant 0 : i32
    return %arg0, %c0_i32 : i32, i32
  }
  func.func @transform_8(%arg0: i32) -> (i32, i32) {
    %c0_i32 = arith.constant 0 : i32
    %c0_i32_0 = arith.constant 0 : i32
    %c0_i32_1 = arith.constant 0 : i32
    return %c0_i32, %c0_i32_0 : i32, i32
  }
}

</mosaic_0001>

<sc_bundles>
// kernel: kernel.4.cloned.1.call-start
scs
__scs_entry_jumppad:
0x0: {  	(pc) =	sbr.rel $0x88, $3  }
0x1: {  	(tag) =	ssettag $0x0;
	lr =	simm.s32 $0x1  }
0x2: {  	[smem:$0x3F98] =	sst lr;
	_ =	strace $0xD0000000  }
0x3: {  	_ = 	snop  }
0x4: {  	_ = 	snop  }
0x5: {  	_ = 	snop  }
0x6: {  	_ = 	snop  }
0x7: {  	_ = 	snop  }
__scs_overlays_trampoline_lowered:
0x8: {  	[smem:$0x3FA7] =	sst s0  }
0x9: {  	[smem:$0x3FA8] =	sst s1  }
0xa: {  	[smem:$0x3FA9] =	sst s2  }
0xb: {  	[smem:$0x3FAA] =	sst s3  }
0xc: {  	[smem:$0x3FAB] =	sst s4  }
0xd: {  	[smem:$0x3FAC] =	sst s5  }
0xe: {  	[smem:$0x3FAD] =	sst s6  }
0xf: {  	[smem:$0x3FAE] =	sst s7  }
0x10: {  	[smem:$0x3FAF] =	sst s8  }
0x11: {  	[smem:$0x3FB0] =	sst s9;
	s0 =	simm.s32 @!p0 $0x0  }
0x12: {  	s1 =	sld [smem:$0x3F96];
	s0 =	simm.s32 @p0 $0x1  }
0x13: {  	[smem:$0x3FB1] =	sst s0;
	s0 =	simm.s32 @!p1 $0x0  }
0x14: {  	s2 =	sld [smem:$0x3F95];
	s0 =	simm.s32 @p1 $0x1  }
0x15: {  	[smem:$0x3FB2] =	sst s0;
	s0 =	simm.s32 @!p2 $0x0  }
0x16: {  	s3 =	sld [smem:$0x3FDB];
	s0 =	simm.s32 @p2 $0x1  }
0x17: {  	s4 =	simm.s32 $0x1BF5;
	[smem:$0x3FB4] =	sst s0  }
0x18: {  	s0 =	sld [smem:$0x3F97];
	_ =	swait.ge [sflag:s4], $0x0  }
0x19: {  	s7 =	sld [smem:$0x3F98]  }
0x1a: {  	s8 =	sadd.s32 $0xFFFFE003, lr  }
0x1b: {  	s9 =	sadd.s32 $0xFFFFFEF7, lr;
	s5 =	simm.s32 $0xFFFFFFFF;
	p2 =	slt.u32 s8, $0xFFFFF086  }
0x1c: {  	p1 =	slt.u32 s9, $0xF7A;
	s5 =	simm.s32 @!p2 $0x0  }
0x1d: {  	s5 =	simm.s32 @p1 $0x1;
	p0 =	seq.s32 s7, s2  }
0x1e: {  	s7 =	smul.u32 @!p0 $0xF7A, s2;
	p2 =	seq.s32 @!p0 s5, $0x0  }
0x1f: {  	s9 =	smul.u32 $0xF7A, s1;
	s8 =	simm.s32 @!p0 $0x1BF5;
	p2 =	por !p2, p0  }
0x20: {  	[sflag:s8] =	ssyncset.s32 @!p0 $0xFFFFF086;
	s6 =	sadd.s32 @!p0 s3, s7;
	s7 =	simm.s32 @!p0 $0x108  }
0x21: {  	s3 =	sadd.s32 s3, s9;
	s6 =	sadd.s32 @!p0 $0x88, s6;
	s7 =	simm.s32 @p2 $0x1082  }
0x22: {  	[simem:s7], [sflag:s8] =	dma.local @!p0 [hbm:s6], $0xF7A  }
0x23: {  	s9 =	sor.u32 $0xD0000000, s2;
	s6 =	simm.s32 $0x108;
	_ =	swait.ge @!p0 [sflag:s8], $0x0  }
0x24: {  	s3 =	sadd.s32 $0x88, s3;
	s6 =	simm.s32 @!p1 $0x1082;
	[sflag:s4] =	ssyncset.s32 $0xFFFFF086  }
0x25: {  	[simem:s6], [sflag:s4] =	dma.local [hbm:s3], $0xF7A  }
0x26: {  	[smem:$0x3F98] =	sst s1;
	(tag) =	ssettag s2;
	_ =	strace s9  }
0x27: {  	s1 =	sld [smem:$0x3FA8]  }
0x28: {  	s2 =	sld [smem:$0x3FA9]  }
0x29: {  	s4 =	sld [smem:$0x3FAB]  }
0x2a: {  	p0 =	seq.s32 s5, $0x0;
	s5 =	sld [smem:$0x3FAC]  }
0x2b: {  	s6 =	sld [smem:$0x3FAD]  }
0x2c: {  	s7 =	sld [smem:$0x3FAE]  }
0x2d: {  	s3 =	simm.s32 $0x108;
	s8 =	sld [smem:$0x3FAF]  }
0x2e: {  	s3 =	simm.s32 @!p0 $0x1082;
	s9 =	sld [smem:$0x3FB0]  }
0x2f: {  	lr =	sadd.s32 s0, s3;
	s0 =	sld [smem:$0x3FA7]  }
0x30: {  	s3 =	sld [smem:$0x3FAA]  }
0x31: {  	[smem:$0x3FB3] =	sst s10  }
0x32: {  	s10 =	sld [smem:$0x3FB1];
	_ =	sdelay $0x3  }
0x33: {  	p0 =	seq.s32 s10, $0x1;
	s10 =	sld [smem:$0x3FB3];
	_ =	sdelay $0x3  }
0x34: {  	[smem:$0x3FB3] =	sst s10  }
0x35: {  	s10 =	sld [smem:$0x3FB2];
	_ =	sdelay $0x3  }
0x36: {  	p1 =	seq.s32 s10, $0x1;
	s10 =	sld [smem:$0x3FB3];
	_ =	sdelay $0x3  }
0x37: {  	[smem:$0x3FB3] =	sst s10  }
0x38: {  	s10 =	sld [smem:$0x3FB4]  }
0x39: {  	_ = 	snop;
	(pc) =	sbr.ind lr, $3  }
0x3a: {  	_ = 	snop  }
0x3b: {  	_ = 	snop  }
0x3c: {  	p2 =	seq.s32 s10, $0x1;
	s10 =	sld [smem:$0x3FB3]  }
0x3d: {  	_ =	shalt  }
0x3e: {  	_ =	shalt  }
0x3f: {  	_ =	shalt  }
0x40: {  	_ =	shalt  }
0x41: {  	_ =	shalt  }
0x42: {  	_ =	shalt  }
0x43: {  	_ =	shalt  }
0x44: {  	_ =	shalt  }
0x45: {  	_ =	shalt  }
0x46: {  	_ =	shalt  }
0x47: {  	_ =	shalt  }
0x48: {  	_ =	shalt  }
0x49: {  	_ =	shalt  }
0x4a: {  	_ =	shalt  }
0x4b: {  	_ =	shalt  }
0x4c: {  	_ =	shalt  }
0x4d: {  	_ =	shalt  }
0x4e: {  	_ =	shalt  }
0x4f: {  	_ =	shalt  }
0x50: {  	_ =	shalt  }
0x51: {  	_ =	shalt  }
0x52: {  	_ =	shalt  }
0x53: {  	_ =	shalt  }
0x54: {  	_ =	shalt  }
0x55: {  	_ =	shalt  }
0x56: {  	_ =	shalt  }
0x57: {  	_ =	shalt  }
0x58: {  	_ =	shalt  }
0x59: {  	_ =	shalt  }
0x5a: {  	_ =	shalt  }
0x5b: {  	_ =	shalt  }
0x5c: {  	_ =	shalt  }
0x5d: {  	_ =	shalt  }
0x5e: {  	_ =	shalt  }
0x5f: {  	_ =	shalt  }
0x60: {  	_ =	shalt  }
0x61: {  	_ =	shalt  }
0x62: {  	_ =	shalt  }
0x63: {  	_ =	shalt  }
0x64: {  	_ =	shalt  }
0x65: {  	_ =	shalt  }
0x66: {  	_ =	shalt  }
0x67: {  	_ =	shalt  }
0x68: {  	_ =	shalt  }
0x69: {  	_ =	shalt  }
0x6a: {  	_ =	shalt  }
0x6b: {  	_ =	shalt  }
0x6c: {  	_ =	shalt  }
0x6d: {  	_ =	shalt  }
0x6e: {  	_ =	shalt  }
0x6f: {  	_ =	shalt  }
0x70: {  	_ =	shalt  }
0x71: {  	_ =	shalt  }
0x72: {  	_ =	shalt  }
0x73: {  	_ =	shalt  }
0x74: {  	_ =	shalt  }
0x75: {  	_ =	shalt  }
0x76: {  	_ =	shalt  }
0x77: {  	_ =	shalt  }
0x78: {  	_ =	shalt  }
0x79: {  	_ =	shalt  }
0x7a: {  	_ =	shalt  }
0x7b: {  	_ =	shalt  }
0x7c: {  	_ =	shalt  }
0x7d: {  	_ =	shalt  }
0x7e: {  	_ =	shalt  }
0x7f: {  	_ =	shalt  }
0x80: {  	_ =	shalt  }
0x81: {  	_ =	shalt  }
0x82: {  	_ =	shalt  }
0x83: {  	_ =	shalt  }
0x84: {  	_ =	shalt  }
0x85: {  	_ =	shalt  }
0x86: {  	_ =	shalt  }
0x87: {  	_ =	shalt  }
.Lfunc_end0:
.L_simem_size_0:
called_computation_lowered:
.L_overlay_start_0:
0x88: {  	s2 =	sld [smem:$0x3FD9]  }
0x89: {  	s3 =	sld [smem:$0x3FFE];
	_ =	sdelay $0x1  }
0x8a: {  	s1 =	srdreg.scid  }
0x8b: {  	s0 =	sand.u32 $0x1, s1  }
0x8c: {  	s17 =	sshll.u32 s0, $0xA;
	s2 =	sadd.s32 s3, s2  }
0x8d: {  	s2 =	sadd.s32 s2, s17  }
0x8e: {  	[smem:$0x3FBF] =	sst s2  }
0x8f: {  	_ = 	snop  }
0x90: {  	s2 =	sld [smem:$0x3FC7]  }
0x91: {  	s18 =	sld [smem:$0x3FD0];
	(tm) =	ssettm $0x1  }
0x92: {  	s4 =	sld [smem:$0x3FFB];
	_ =	sdelay $0x3  }
0x93: {  	_ =	strace s4  }
0x94: {  	s4 =	sld [smem:$0x3FFC];
	_ =	sdelay $0x3  }
0x95: {  	_ =	strace s4  }
0x96: {  	s4 =	sld [smem:$0x3FFD];
	_ =	sdelay $0x3  }
0x97: {  	_ =	strace s4  }
0x98: {  	_ =	strace $0x8FFFFFFF  }
0x99: {  	s19 =	sld [smem:$0x3FDB];
	_ =	sdelay $0x1  }
0x9a: {  	s5 =	simm.s32 $_scs_section_size  }
0x9b: {  	s6 =	simm.s32 $_size__tile_overlayer_lowered;
	s7 =	simm.s32 $_tile_overlayer_lowered  }
0x9c: {  	s22 =	simm.s32 $0x1BFF;
	s21 =	sshll.u32 s7, $0x1;
	s4 =	sadd.s32 s5, s19  }
0x9d: {  	s8 =	simm.s32 $0x0;
	s20 =	sshll.u32 s6, $0x1;
	s6 =	sadd.s32 s21, s4  }
0x9e: {  	[timem:s8], [sflag:s22] =	dma.local [hbm:s6], s20  }
0x9f: {  	_ =	swait.ge [sflag:s22], s20  }
0xa0: {  	s5 =	ssub.s32 $0x0, s20;
	[sflag:s22] =	ssyncset.done $0x0  }
0xa1: {  	[sflag:s22] =	ssyncadd.s32 s5;
	_ =	sdelay $0x1  }
0xa2: {  	s23 =	simm.s32 $0x1B8B  }
0xa3: {  	_ =	swait.ge [sflag:s23], $0x1  }
0xa4: {  	[sflag:s23] =	ssyncset.done $0x0  }
0xa5: {  	s25 =	simm.s32 $0x1B8E;
	s24 =	sld [smem:$0x3FFE];
	[sflag:s23] =	ssyncadd.s32 $0xFFFFFFFF  }
0xa6: {  	s26 =	simm.s32 $execute0_lowered;
	[smem:$0x3FD2] =	sst s25  }
0xa7: {  	s6 =	sshll.u32 s26, $0x1;
	_ =	strace $0x80000046;
	[dreg:$0x1] =	wrdreg $0xFFFFFFFF  }
0xa8: {  	s28 =	simm.s32 $_size_execute0_lowered;
	s4 =	sadd.s32 s4, s6;
	[dreg:$0x0] =	wrdreg $0x0  }
0xa9: {  	s6 =	sshll.u32 s28, $0x1;
	[dreg:$0x2] =	wrdreg s4  }
0xaa: {  	[dreg:$0x3] =	wrdreg s6  }
0xab: {  	[dreg:$0x4] =	wrdreg $0xC0  }
0xac: {  	_ =	task [dreg:s8], $0x5FFFF  }
0xad: {  	[dreg:$0x1] =	wrdreg $0xFFFFFFFF  }
0xae: {  	[dreg:$0x0] =	wrdreg $0x60  }
0xaf: {  	[dreg:$0x2] =	wrdreg s24  }
0xb0: {  	[dreg:$0x3] =	wrdreg s2  }
0xb1: {  	[dreg:$0x4] =	wrdreg s18  }
0xb2: {  	[dreg:$0x5] =	wrdreg $0x172800  }
0xb3: {  	[dreg:$0x6] =	wrdreg $0x175000  }
0xb4: {  	[dreg:$0x7] =	wrdreg $0x9  }
0xb5: {  	_ =	task.clear_ibuf [dreg:s8], $0x8FFFF;
	_ =	strace $0x90000046  }
0xb6: {  	s29 =	simm.s32 $0x9;
	_ =	strace $0x80000048  }
0xb7: {  	_ =	swait.ge [sflag:s29], $0x1  }
0xb8: {  	[sflag:s29] =	ssyncadd.s32 $0xFFFFFFFF  }
0xb9: {  	_ =	strace $0x90000048  }
0xba: {  	_ =	sfence  }
0xbb: {  	s30 =	sld [smem:$0x0];
	_ =	sdelay $0x2  }
0xbc: {  	s31 =	sshll.u32 s1, $0xD;
	s1 =	sshrl.u32 s1, $0x2  }
0xbd: {  	s3 =	sand.u32 $0x4000, s31;
	s1 =	sadd.s32 s1, s30  }
0xbe: {  	s0 =	sor.u32 s3, s0;
	s1 =	sshll.u32 s1, $0x11  }
0xbf: {  	s0 =	sor.u32 s1, s0  }
0xc0: {  	s0 =	sadd.s32 $0x8F2B, s0  }
0xc1: {  	[sflag:s0] =	ssyncadd.remote.s32 $0x1  }
0xc2: {  	_ =	sfence.sel $0xFFFF  }
0xc3: {  	[dreg:$0x0] =	wrdreg $0xFFFFFFFF;
	(pc) =	sbr.abs _section_cstart, $3  }
0xc4: {  	[dreg:$0x1] =	wrdreg $0xFFFFFFFF  }
0xc5: {  	_ =	task.clear_ibuf [dreg:s8], $0x2FFFF;
	_ =	strace $0x9FFFFFFF  }
0xc6: {  	(tm) =	ssettm $0x7FFFFFFF  }
0xc7: {  	_ =	shalt  }
tec
execute0_lowered:
.L_overlay_start_1:
0x0: {  	(tag) =	ssettag $0x1  }
0x1: {  	s0 =	rddreg [dreg:$0x0]  }
0x2: {  	s1 =	rddreg [dreg:$0x1]  }
0x3: {  	s3 =	rddreg [dreg:$0x3]  }
0x4: {  	s4 =	rddreg [dreg:$0x4];
	s2 =	simm.s32 $0x0;
	s5 =	stileid.u32  }
0x5: {  	s6 =	srdreg.scid;
	s19 =	simm.s32 $0x17200;
	s20 =	simm.s32 $0x2  }
0x6: {  	s21 =	simm.s32 $0x16F80;
	s22 =	simm.s32 $0x80;
	s23 =	simm.s32 $0x16D00  }
0x7: {  	s24 =	simm.s32 $0x16A80;
	s26 =	simm.s32 $0x0;
	s31 =	smul.u32 $0xA00, s5  }
0x8: {  	[smem:$0x7FF] =	sst s2;
	s16 =	smul.u32 $0x280, s5;
	s25 =	sand.u32 $0x1, s6  }
0x9: {  	p0 =	seq.s32 s5, $0xF;
	s6 =	simm.s32 $0x64;
	s11 =	sadd.s32 $0x13800, s0  }
0xa: {  	s12 =	sadd.s32 $0x9A00, s0;
	s13 =	sadd.s32 $0x9600, s1;
	s14 =	sadd.s32 $0x144B0, s0  }
0xb: {  	_ =	strace $0x80000047;
	s9 =	ssub.s32 $0x2, s25;
	s6 =	simm.s32 @!p0 $0xA0  }
0xc: {  	p1 =	sne.s32 s25, $0x0;
	s25 =	simm.s32 $0x14000;
	s8 =	sadd.s32 s31, s0  }
0xd: {  	s7 =	sshrl.u32 s16, $0x3;
	s10 =	sshrl.u32 s9, $0x1;
	s15 =	sadd.s32 s16, s3  }
0xe: {  	s16 =	sadd.s32 s16, s4;
	s17 =	sadd.s32 s7, s0;
	s18 =	ssub.s32 s9, s10  }
0xf: {  	s7 =	sadd.s32 $0xA200, s8;
	s8 =	sadd.s32 $0x400, s8;
	s9 =	sadd.s32 s1, s31  }
0x10: {  	v0 =	vimm.f32 $0.0e+00;
	s10 =	sadd.s32 $0x14000, s17;
	s17 =	sadd.s32 $0x14600, s17;
	s18 =	smax.u32 s18, $0x1  }
.LBB2_1:
0x11: {  	s0 =	simm.s32 @p0 $0x0;
	s1 =	simm.s32 @p0 $0x2  }
0x12: {  	[tilespmem:s0], [sflag:$0x2] =	stream.linear.gather @p0 [hbm4b:s11+s0], $0x3200, $0x38;
	[tilespmem:$0x17780] =	vst v63  }
0x13: {  	_ =	swait.ge @p0 [sflag:s1], $0x3200  }
0x14: {  	[sflag:s1] =	ssyncset.done @p0 $0x0  }
0x15: {  	s2 =	simm.s32 @p0 $0x5000;
	[sflag:s1] =	ssyncadd.s32 @p0 $0xFFFFCE00  }
0x16: {  	[tilespmem:s2], [sflag:$0x2] =	stream.linear.gather @p0 [hbm4b:s12+s0], $0x3200, $0x38;
	[tilespmem:$0x17780] =	vst v63  }
0x17: {  	_ =	swait.ge @p0 [sflag:s1], $0x3200  }
0x18: {  	[sflag:s1] =	ssyncset.done @p0 $0x0  }
0x19: {  	s2 =	simm.s32 @p0 $0xA000;
	[sflag:s1] =	ssyncadd.s32 @p0 $0xFFFFCE00  }
0x1a: {  	[tilespmem:s2], [sflag:$0x2] =	stream.linear.gather @p0 [hbm4b:s13+s0], $0x3200, $0x38;
	[tilespmem:$0x17780] =	vst v63  }
0x1b: {  	_ =	swait.ge @p0 [sflag:s1], $0x3200  }
0x1c: {  	[sflag:s1] =	ssyncset.done @p0 $0x0  }
0x1d: {  	s2 =	simm.s32 @p0 $0x16A80;
	[sflag:s1] =	ssyncadd.s32 @p0 $0xFFFFCE00  }
0x1e: {  	[tilespmem:s2], [sflag:$0x2] =	stream.linear.gather @p0 [hbm4b:s14+s0], $0x190, $0x38;
	[tilespmem:$0x17780] =	vst v63  }
0x1f: {  	_ =	swait.ge @p0 [sflag:s1], $0x190  }
0x20: {  	[sflag:s1] =	ssyncset.done @p0 $0x0  }
0x21: {  	v1 =	vimm.f32 @p0 $0.0e+00;
	[sflag:s1] =	ssyncadd.s32 @p0 $0xFFFFFE70  }
0x22: {  	[tilespmem:$0x16C10] =	vst @p0 v1  }
0x23: {  	[tilespmem:$0x16C20] =	vst @p0 v1  }
0x24: {  	[tilespmem:$0x16C30] =	vst @p0 v1  }
0x25: {  	[tilespmem:$0x16C40] =	vst @p0 v1  }
0x26: {  	[tilespmem:$0x16C50] =	vst @p0 v1  }
0x27: {  	[tilespmem:$0x16C60] =	vst @p0 v1  }
0x28: {  	[tilespmem:$0x16C70] =	vst @p0 v1  }
0x29: {  	[tilespmem:$0x16C80] =	vst @p0 v1  }
0x2a: {  	[tilespmem:$0x16C90] =	vst @p0 v1  }
0x2b: {  	[tilespmem:$0x16CA0] =	vst @p0 v1  }
0x2c: {  	[tilespmem:$0x16CB0] =	vst @p0 v1  }
0x2d: {  	[tilespmem:$0x16CC0] =	vst @p0 v1  }
0x2e: {  	[tilespmem:$0x16CD0] =	vst @p0 v1  }
0x2f: {  	[tilespmem:$0x16CE0] =	vst @p0 v1  }
0x30: {  	s0 =	simm.s32 @!p0 $0x0;
	s1 =	simm.s32 @!p0 $0x2;
	[tilespmem:$0x16CF0] =	vst @p0 v1  }
0x31: {  	[tilespmem:s0], [sflag:$0x2] =	stream.linear.gather @!p0 [hbm4b:s7+s0], $0x5000, $0x38;
	[tilespmem:$0x17780] =	vst v63  }
0x32: {  	_ =	swait.ge @!p0 [sflag:s1], $0x5000  }
0x33: {  	[sflag:s1] =	ssyncset.done @!p0 $0x0  }
0x34: {  	s2 =	simm.s32 @!p0 $0x5000;
	[sflag:s1] =	ssyncadd.s32 @!p0 $0xFFFFB000  }
0x35: {  	[tilespmem:s2], [sflag:$0x2] =	stream.linear.gather @!p0 [hbm4b:s8+s0], $0x5000, $0x38;
	[tilespmem:$0x17780] =	vst v63  }
0x36: {  	_ =	swait.ge @!p0 [sflag:s1], $0x5000  }
0x37: {  	[sflag:s1] =	ssyncset.done @!p0 $0x0  }
0x38: {  	s2 =	simm.s32 @!p0 $0xA000;
	[sflag:s1] =	ssyncadd.s32 @!p0 $0xFFFFB000  }
0x39: {  	[tilespmem:s2], [sflag:$0x2] =	stream.linear.gather @!p0 [hbm4b:s9+s0], $0x5000, $0x38;
	[tilespmem:$0x17780] =	vst v63  }
0x3a: {  	_ =	swait.ge @!p0 [sflag:s1], $0x5000  }
0x3b: {  	[sflag:s1] =	ssyncset.done @!p0 $0x0  }
0x3c: {  	s2 =	simm.s32 @!p0 $0x16A80;
	[sflag:s1] =	ssyncadd.s32 @!p0 $0xFFFFB000  }
0x3d: {  	[tilespmem:s2], [sflag:$0x2] =	stream.linear.gather @!p0 [hbm4b:s10+s0], $0x280, $0x38;
	[tilespmem:$0x17780] =	vst v63  }
0x3e: {  	_ =	swait.ge @!p0 [sflag:s1], $0x280  }
0x3f: {  	[sflag:s1] =	ssyncset.done @!p0 $0x0  }
0x40: {  	[sflag:s1] =	ssyncadd.s32 @!p0 $0xFFFFFD80  }
0x41: {  	s31 =	simm.s32 $0x0;
	s30 =	rddreg [dreg:$0x2]  }
0x42: {  	[tilespmem:s19], [sflag:$0x2] =	stream.linear.gather [hbm4b:s30+s31], $0x80, $0x38;
	[tilespmem:$0x17780] =	vst v63  }
0x43: {  	_ =	swait.ge [sflag:s20], $0x80  }
0x44: {  	[sflag:s20] =	ssyncset.done $0x0  }
0x45: {  	[sflag:s20] =	ssyncadd.s32 $0xFFFFFF80  }
0x46: {  	[tilespmem:$0x16F80] =	vst v0  }
0x47: {  	[tilespmem:$0x16F90] =	vst v0  }
0x48: {  	[tilespmem:$0x16FA0] =	vst v0  }
0x49: {  	[tilespmem:$0x16FB0] =	vst v0  }
0x4a: {  	[tilespmem:$0x16FC0] =	vst v0  }
0x4b: {  	[tilespmem:$0x16FD0] =	vst v0  }
0x4c: {  	[tilespmem:$0x16FE0] =	vst v0  }
0x4d: {  	[tilespmem:$0x16FF0] =	vst v0  }
0x4e: {  	[tilespmem:$0x17000] =	vst v0  }
0x4f: {  	[tilespmem:$0x17010] =	vst v0  }
0x50: {  	[tilespmem:$0x17020] =	vst v0  }
0x51: {  	[tilespmem:$0x17030] =	vst v0  }
0x52: {  	[tilespmem:$0x17040] =	vst v0  }
0x53: {  	[tilespmem:$0x17050] =	vst v0  }
0x54: {  	[tilespmem:$0x17060] =	vst v0  }
0x55: {  	[tilespmem:$0x17070] =	vst v0  }
0x56: {  	[tilespmem:$0x17080] =	vst v0  }
0x57: {  	[tilespmem:$0x17090] =	vst v0  }
0x58: {  	[tilespmem:$0x170A0] =	vst v0  }
0x59: {  	[tilespmem:$0x170B0] =	vst v0  }
0x5a: {  	[tilespmem:$0x170C0] =	vst v0  }
0x5b: {  	[tilespmem:$0x170D0] =	vst v0  }
0x5c: {  	[tilespmem:$0x170E0] =	vst v0  }
0x5d: {  	[tilespmem:$0x170F0] =	vst v0  }
0x5e: {  	[tilespmem:$0x17100] =	vst v0  }
0x5f: {  	[tilespmem:$0x17110] =	vst v0  }
0x60: {  	[tilespmem:$0x17120] =	vst v0  }
0x61: {  	[tilespmem:$0x17130] =	vst v0  }
0x62: {  	[tilespmem:$0x17140] =	vst v0  }
0x63: {  	[tilespmem:$0x17150] =	vst v0  }
0x64: {  	[tilespmem:$0x17160] =	vst v0  }
0x65: {  	[tilespmem:$0x17170] =	vst v0  }
0x66: {  	[tilespmem:$0x17180] =	vst v0  }
0x67: {  	[tilespmem:$0x17190] =	vst v0  }
0x68: {  	[tilespmem:$0x171A0] =	vst v0  }
0x69: {  	[tilespmem:$0x171B0] =	vst v0  }
0x6a: {  	[tilespmem:$0x171C0] =	vst v0  }
0x6b: {  	[tilespmem:$0x171D0] =	vst v0  }
0x6c: {  	[tilespmem:$0x171E0] =	vst v0  }
0x6d: {  	p2 =	sne.s32 s6, $0x1;
	[tilespmem:$0x171F0] =	vst v0  }
0x6e: {  	[spmem:s15] =	stream.linear.scatter [tilespmem:s21], [sflag:$0x2], $0x280, $0x38;
	[tilespmem:$0x17780] =	vst v63  }
.Ltmp0:
0x6f: {  	_ =	swait.ge [sflag:s20], $0x280;
	(pc) =	sbr.rel @!p2 .LBB2_3-.Ltmp0, $4  }
0x70: {  	[sflag:s20] =	ssyncset.done $0x0  }
0x71: {  	s0 =	simm.s32 $0xA000;
	[sflag:s20] =	ssyncadd.s32 $0xFFFFFD80  }
0x72: {  	s2 =	sadd.s32 $0xFFFFFFFF, s6;
	s1 =	simm.s32 $0x5000;
	[bflag:$0x0] =	sbarrier.arrive $0xFFFF  }
0x73: {  	[spmem:s3] =	stream.indirect.scatter.add.f32 [tilespmem:s0], [sflag:$0x1], $0x1, s1, s22, $0xb8;
	[tilespmem:$0x17780] =	vst v63  }
.LBB2_2:
0x74: {  	p2 =	sne.s32 s2, $0x1  }
.Ltmp1:
0x75: {  	_ = 	snop;
	(pc) =	sbr.rel @p2 .LBB2_2-.Ltmp1, $4  }
0x76: {  	_ = 	snop  }
0x77: {  	s0 =	sadd.s32 $0x80, s0;
	s1 =	sadd.s32 $0x80, s1  }
0x78: {  	s2 =	sadd.s32 $0xFFFFFFFF, s2  }
0x79: {  	[spmem:s3] =	stream.indirect.scatter.add.f32 [tilespmem:s0], [sflag:$0x1], $0x1, s1, s22, $0xb8;
	[tilespmem:$0x17780] =	vst v63  }
.LBB2_3:
0x7a: {  	s0 =	simm.s32 @p0 $0x1  }
0x7b: {  	_ =	swait.ge @p0 [sflag:s0], $0x3200  }
0x7c: {  	[sflag:s0] =	ssyncset.done @p0 $0x0  }
0x7d: {  	[sflag:s0] =	ssyncadd.s32 @p0 $0xFFFFCE00;
	s0 =	simm.s32 @!p0 $0x1  }
0x7e: {  	_ =	swait.ge @!p0 [sflag:s0], $0x5000  }
0x7f: {  	[sflag:s0] =	ssyncset.done @!p0 $0x0  }
0x80: {  	[sflag:s0] =	ssyncadd.s32 @!p0 $0xFFFFB000  }
0x81: {  	[bflag:$0x0] =	sbarrier.arrive $0xFFFF  }
0x82: {  	[tilespmem:s23], [sflag:$0x2] =	stream.linear.gather [spmem:s15], $0x280, $0x38;
	[tilespmem:$0x17780] =	vst v63  }
0x83: {  	_ =	swait.ge [sflag:s20], $0x280  }
0x84: {  	[sflag:s20] =	ssyncset.done $0x0  }
0x85: {  	s2 =	simm.s32 $0x0;
	[sflag:s20] =	ssyncadd.s32 $0xFFFFFD80  }
0x86: {  	v1 =	vld [tilespmem:s2+$0x16D00];
	_ =	sdelay $0x4  }
0x87: {  	v1 =	vadd.f32 $1.000000000e+00, v1;
	_ =	sdelay $0x1  }
0x88: {  	s31 =	simm.s32 $0x10;
	v3 =	vmul.f32 $5.000000000e-01, v1;
	v1 =	vshra.s32 v1, $0x1  }
0x89: {  	v2 =	vld [tilespmem:s31+$0x16D00];
	v1 =	vsub.s32 $0x5F3759DF, v1  }
0x8a: {  	v4 =	vmul.f32 v1, v3;
	_ =	sdelay $0x1  }
0x8b: {  	v4 =	vmul.f32 v1, v4;
	_ =	sdelay $0x1  }
0x8c: {  	v2 =	vadd.f32 $1.000000000e+00, v2;
	v5 =	vsub.f32 $1.500000000e+00, v4  }
0x8d: {  	s28 =	simm.s32 $0x20  }
0x8e: {  	v6 =	vld [tilespmem:s28+$0x16D00];
	v4 =	vmul.f32 $5.000000000e-01, v2;
	v2 =	vshra.s32 v2, $0x1;
	v5 =	vmul.f32 v1, v5  }
0x8f: {  	v2 =	vsub.s32 $0x5F3759DF, v2  }
0x90: {  	v1 =	vmul.f32 v2, v4;
	v7 =	vmul.f32 v5, v3;
	_ =	sdelay $0x1  }
0x91: {  	v1 =	vmul.f32 v2, v1;
	v7 =	vmul.f32 v7, v5  }
0x92: {  	v6 =	vadd.f32 $1.000000000e+00, v6  }
0x93: {  	v8 =	vsub.f32 $1.500000000e+00, v1;
	v7 =	vsub.f32 $1.500000000e+00, v7  }
0x94: {  	s29 =	simm.s32 $0x30;
	v1 =	vmul.f32 $5.000000000e-01, v6;
	v6 =	vshra.s32 v6, $0x1  }
0x95: {  	v9 =	vld [tilespmem:s29+$0x16D00];
	v6 =	vsub.s32 $0x5F3759DF, v6;
	v8 =	vmul.f32 v2, v8;
	v5 =	vmul.f32 v7, v5  }
0x96: {  	v2 =	vmul.f32 v6, v1  }
0x97: {  	v7 =	vmul.f32 v8, v4;
	v10 =	vmul.f32 v5, v3  }
0x98: {  	v2 =	vmul.f32 v6, v2  }
0x99: {  	v7 =	vmul.f32 v7, v8;
	v10 =	vmul.f32 v10, v5  }
0x9a: {  	s30 =	simm.s32 $0x40;
	v9 =	vadd.f32 $1.000000000e+00, v9;
	v11 =	vsub.f32 $1.500000000e+00, v2  }
0x9b: {  	v12 =	vld [tilespmem:s30+$0x16D00];
	v7 =	vsub.f32 $1.500000000e+00, v7;
	v10 =	vsub.f32 $1.500000000e+00, v10  }
0x9c: {  	v2 =	vmul.f32 $5.000000000e-01, v9;
	v9 =	vshra.s32 v9, $0x1;
	v6 =	vmul.f32 v6, v11  }
0x9d: {  	v9 =	vsub.s32 $0x5F3759DF, v9;
	v11 =	vmul.f32 v7, v8;
	v10 =	vmul.f32 v10, v5  }
0x9e: {  	v7 =	vmul.f32 v6, v1;
	v5 =	vmul.f32 v9, v2  }
0x9f: {  	v8 =	vmul.f32 v11, v4;
	v3 =	vmul.f32 v10, v3  }
0xa0: {  	v12 =	vadd.f32 $1.000000000e+00, v12;
	v7 =	vmul.f32 v7, v6;
	v5 =	vmul.f32 v9, v5  }
0xa1: {  	v8 =	vmul.f32 v8, v11;
	v13 =	vmul.f32 v3, v10  }
0xa2: {  	v14 =	vsub.f32 $1.500000000e+00, v7;
	v5 =	vsub.f32 $1.500000000e+00, v5;
	v3 =	vmul.f32 $5.000000000e-01, v12  }
0xa3: {  	s0 =	simm.s32 $0x50;
	v15 =	vsub.f32 $1.500000000e+00, v8;
	v8 =	vshra.s32 v12, $0x1;
	v12 =	vsub.f32 $1.500000000e+00, v13  }
0xa4: {  	v7 =	vmul.f32 v9, v5;
	v5 =	vmul.f32 v14, v6;
	v9 =	vld [tilespmem:s0+$0x16D00]  }
0xa5: {  	v8 =	vsub.s32 $0x5F3759DF, v8;
	v6 =	vmul.f32 v15, v11;
	v11 =	vmul.f32 v12, v10;
	v10 =	vld [tilespmem:s2+$0x16A80]  }
0xa6: {  	v14 =	vmul.f32 v8, v3  }
0xa7: {  	s1 =	simm.s32 $0x180;
	v12 =	vmul.f32 v7, v2;
	v13 =	vmul.f32 v5, v1  }
.LBB2_4:
0xa8: {  	p2 =	sne.s32 s1, $0x9C0;
	v14 =	vmul.f32 v8, v14;
	v15 =	vmul.f32 v6, v4;
	[tilespmem:s2+$0x16800] =	vst v11;
	v4 =	vmovc v1;
	v1 =	vmov v2;
	s5 =	smov.u32 s1;
	s1 =	sadd.s32 $0x40, s1  }
0xa9: {  	v2 =	vmovc v3;
	v16 =	vadd.f32 $1.000000000e+00, v9;
	v9 =	vmul.f32 v12, v7;
	v12 =	vmul.f32 v13, v5  }
0xaa: {  	v13 =	vsub.f32 $1.500000000e+00, v14;
	v14 =	vmul.f32 v15, v6;
	v10 =	vmul.f32 v11, v10  }
.Ltmp2:
0xab: {  	s5 =	sshra.s32 s5, $0x2;
	v3 =	vmul.f32 $5.000000000e-01, v16;
	v11 =	vsub.f32 $1.500000000e+00, v9;
	v12 =	vsub.f32 $1.500000000e+00, v12;
	(pc) =	sbr.rel @p2 .LBB2_4-.Ltmp2, $4  }
0xac: {  	v15 =	vshra.s32 v16, $0x1;
	v9 =	vld [tilespmem:s5+$0x16D00];
	v13 =	vmul.f32 v8, v13;
	v16 =	vsub.f32 $1.500000000e+00, v14;
	[tilespmem:s2+$0x16A80] =	vst v10;
	s2 =	smov.u32 s31;
	s31 =	smov.u32 s28;
	s28 =	smov.u32 s29  }
0xad: {  	v8 =	vsub.s32 $0x5F3759DF, v15;
	s29 =	smov.u32 s30;
	s30 =	smov.u32 s0;
	s0 =	smov.u32 s5;
	v15 =	vmul.f32 v12, v5;
	v5 =	vmul.f32 v11, v7;
	v10 =	vld [tilespmem:s2+$0x16A80]  }
0xae: {  	v14 =	vmul.f32 v8, v3;
	v11 =	vmul.f32 v16, v6;
	v7 =	vmov v13  }
0xaf: {  	v12 =	vmul.f32 v7, v2;
	v13 =	vmul.f32 v5, v1;
	v6 =	vmov v15  }
0xb0: {  	_ = 	snop  }
0xb1: {  	v14 =	vmul.f32 v8, v14  }
0xb2: {  	v4 =	vmul.f32 v6, v4;
	v10 =	vmul.f32 v11, v10  }
0xb3: {  	[tilespmem:s2+$0x16800] =	vst v11;
	v9 =	vadd.f32 $1.000000000e+00, v9;
	v42 =	vmul.f32 v12, v7;
	v43 =	vmul.f32 v13, v5  }
0xb4: {  	v44 =	vsub.f32 $1.500000000e+00, v14;
	v4 =	vmul.f32 v4, v6;
	[tilespmem:s2+$0x16A80] =	vst v10  }
0xb5: {  	v45 =	vmul.f32 $5.000000000e-01, v9;
	v11 =	vsub.f32 $1.500000000e+00, v42;
	v12 =	vsub.f32 $1.500000000e+00, v43;
	v46 =	vld [tilespmem:s31+$0x16A80]  }
0xb6: {  	v9 =	vshra.s32 v9, $0x1;
	v47 =	vmul.f32 v8, v44;
	v4 =	vsub.f32 $1.500000000e+00, v4  }
0xb7: {  	v9 =	vsub.s32 $0x5F3759DF, v9;
	v48 =	vmul.f32 v11, v7;
	v49 =	vmul.f32 v12, v5  }
0xb8: {  	v50 =	vmul.f32 v9, v45;
	v4 =	vmul.f32 v4, v6  }
0xb9: {  	v51 =	vmul.f32 v47, v3;
	v52 =	vmul.f32 v48, v2  }
0xba: {  	v1 =	vmul.f32 v49, v1;
	v53 =	vmul.f32 v4, v46  }
0xbb: {  	v11 =	vmul.f32 v9, v50;
	[tilespmem:s31+$0x16800] =	vst v4;
	v54 =	vmul.f32 v51, v47  }
0xbc: {  	v55 =	vmul.f32 v52, v48;
	v1 =	vmul.f32 v1, v49;
	[tilespmem:s31+$0x16A80] =	vst v53  }
0xbd: {  	v11 =	vsub.f32 $1.500000000e+00, v11;
	v4 =	vsub.f32 $1.500000000e+00, v54;
	v56 =	vld [tilespmem:s28+$0x16A80]  }
0xbe: {  	v6 =	vsub.f32 $1.500000000e+00, v55;
	v1 =	vsub.f32 $1.500000000e+00, v1  }
0xbf: {  	v9 =	vmul.f32 v9, v11;
	v4 =	vmul.f32 v4, v47  }
0xc0: {  	v6 =	vmul.f32 v6, v48;
	v1 =	vmul.f32 v1, v49  }
0xc1: {  	v57 =	vmul.f32 v9, v45;
	v58 =	vmul.f32 v4, v3  }
0xc2: {  	v2 =	vmul.f32 v6, v2;
	v59 =	vmul.f32 v1, v56  }
0xc3: {  	[tilespmem:s28+$0x16800] =	vst v1;
	v60 =	vmul.f32 v58, v4  }
0xc4: {  	v2 =	vmul.f32 v2, v6;
	v1 =	vmul.f32 v57, v9;
	[tilespmem:s28+$0x16A80] =	vst v59  }
0xc5: {  	v5 =	vsub.f32 $1.500000000e+00, v60;
	v61 =	vld [tilespmem:s29+$0x16A80]  }
0xc6: {  	v2 =	vsub.f32 $1.500000000e+00, v2;
	v1 =	vsub.f32 $1.500000000e+00, v1  }
0xc7: {  	v4 =	vmul.f32 v5, v4  }
0xc8: {  	v2 =	vmul.f32 v2, v6;
	v1 =	vmul.f32 v1, v9  }
0xc9: {  	v3 =	vmul.f32 v4, v3  }
0xca: {  	v62 =	vmul.f32 v1, v45;
	v6 =	vmul.f32 v2, v61  }
0xcb: {  	[tilespmem:s29+$0x16800] =	vst v2  }
0xcc: {  	v3 =	vmul.f32 v3, v4;
	v2 =	vmul.f32 v62, v1;
	[tilespmem:s29+$0x16A80] =	vst v6  }
0xcd: {  	v63 =	vld [tilespmem:s30+$0x16A80]  }
0xce: {  	v3 =	vsub.f32 $1.500000000e+00, v3;
	v2 =	vsub.f32 $1.500000000e+00, v2;
	_ =	sdelay $0x1  }
0xcf: {  	v1 =	vmul.f32 v2, v1;
	v2 =	vmul.f32 v3, v4;
	_ =	sdelay $0x1  }
0xd0: {  	v3 =	vmul.f32 v1, v45;
	v4 =	vmul.f32 v2, v63  }
0xd1: {  	[tilespmem:s30+$0x16800] =	vst v2  }
0xd2: {  	v2 =	vmul.f32 v3, v1;
	[tilespmem:s30+$0x16A80] =	vst v4  }
0xd3: {  	v3 =	vld [tilespmem:s0+$0x16A80]  }
0xd4: {  	v2 =	vsub.f32 $1.500000000e+00, v2;
	_ =	sdelay $0x1  }
0xd5: {  	v1 =	vmul.f32 v2, v1;
	_ =	sdelay $0x1  }
0xd6: {  	v2 =	vmul.f32 v1, v3  }
0xd7: {  	[tilespmem:s0+$0x16800] =	vst v1  }
0xd8: {  	[tilespmem:s0+$0x16A80] =	vst v2  }
0xd9: {  	[spmem:s16] =	stream.linear.scatter [tilespmem:s24], [sflag:$0x2], $0x280, $0x38;
	[tilespmem:$0x17780] =	vst v63  }
0xda: {  	_ =	swait.ge [sflag:s20], $0x280  }
0xdb: {  	[sflag:s20] =	ssyncset.done $0x0  }
0xdc: {  	[sflag:s20] =	ssyncadd.s32 $0xFFFFFD80  }
0xdd: {  	[spmem:s15] =	stream.linear.scatter [tilespmem:s21], [sflag:$0x2], $0x280, $0x38;
	[tilespmem:$0x17780] =	vst v63  }
0xde: {  	_ =	swait.ge [sflag:s20], $0x280  }
0xdf: {  	[sflag:s20] =	ssyncset.done $0x0  }
0xe0: {  	[sflag:s20] =	ssyncadd.s32 $0xFFFFFD80  }
0xe1: {  	[bflag:$0x0] =	sbarrier.arrive $0xFFFF  }
0xe2: {  	[tilespmem:s25], [sflag:$0x2] =	stream.linear.gather [spmem:s4], $0x2800, $0x38;
	[tilespmem:$0x17780] =	vst v63  }
0xe3: {  	s1 =	simm.s32 $0xF000;
	_ =	swait.ge [sflag:s20], $0x2800  }
0xe4: {  	s2 =	simm.s32 $0x40;
	s28 =	simm.s32 $0xA040;
	[sflag:s20] =	ssyncset.done $0x0  }
0xe5: {  	s29 =	smov.u32 s6;
	s0 =	simm.s32 $0x5000;
	[sflag:s20] =	ssyncadd.s32 $0xFFFFD800  }
.LBB2_6:
0xe6: {  	v1 =	vld [tilespmem:s2+$0xFFFFFFC0];
	_ =	sdelay $0x6  }
0xe7: {  	v2 =	vld [tilespmem:s28+$0xFFFFFFC0]  }
0xe8: {  	v1 =	vld.idx.msk [tilespmem:v1+s25+$0x0], $0xffff;
	_ =	sdelay $0x4  }
0xe9: {  	v1 =	vmul.f32 v1, v2;
	_ =	sdelay $0x1  }
0xea: {  	[tilespmem:s1+$0x0] =	vst v1  }
0xeb: {  	v1 =	vld [tilespmem:s2+$0xFFFFFFD0];
	_ =	sdelay $0x6  }
0xec: {  	v2 =	vld [tilespmem:s28+$0xFFFFFFD0]  }
0xed: {  	v1 =	vld.idx.msk [tilespmem:v1+s25+$0x0], $0xffff;
	_ =	sdelay $0x4  }
0xee: {  	v1 =	vmul.f32 v1, v2;
	_ =	sdelay $0x1  }
0xef: {  	[tilespmem:s1+$0x10] =	vst v1  }
0xf0: {  	v1 =	vld [tilespmem:s2+$0xFFFFFFE0];
	_ =	sdelay $0x6  }
0xf1: {  	v2 =	vld [tilespmem:s28+$0xFFFFFFE0]  }
0xf2: {  	v1 =	vld.idx.msk [tilespmem:v1+s25+$0x0], $0xffff;
	_ =	sdelay $0x4  }
0xf3: {  	v1 =	vmul.f32 v1, v2;
	_ =	sdelay $0x1  }
0xf4: {  	[tilespmem:s1+$0x20] =	vst v1  }
0xf5: {  	v1 =	vld [tilespmem:s2+$0xFFFFFFF0];
	_ =	sdelay $0x6  }
0xf6: {  	v2 =	vld [tilespmem:s28+$0xFFFFFFF0]  }
0xf7: {  	v1 =	vld.idx.msk [tilespmem:v1+s25+$0x0], $0xffff;
	_ =	sdelay $0x4  }
0xf8: {  	v1 =	vmul.f32 v1, v2;
	_ =	sdelay $0x1  }
0xf9: {  	[tilespmem:s1+$0x30] =	vst v1  }
0xfa: {  	v1 =	vld [tilespmem:s2+$0x0];
	_ =	sdelay $0x6  }
0xfb: {  	v2 =	vld [tilespmem:s28+$0x0]  }
0xfc: {  	v1 =	vld.idx.msk [tilespmem:v1+s25+$0x0], $0xffff;
	_ =	sdelay $0x4  }
0xfd: {  	v1 =	vmul.f32 v1, v2;
	_ =	sdelay $0x1  }
0xfe: {  	[tilespmem:s1+$0x40] =	vst v1  }
0xff: {  	v1 =	vld [tilespmem:s2+$0x10];
	_ =	sdelay $0x6  }
0x100: {  	v2 =	vld [tilespmem:s28+$0x10]  }
0x101: {  	v1 =	vld.idx.msk [tilespmem:v1+s25+$0x0], $0xffff;
	_ =	sdelay $0x4  }
0x102: {  	v1 =	vmul.f32 v1, v2;
	_ =	sdelay $0x1  }
0x103: {  	[tilespmem:s1+$0x50] =	vst v1  }
0x104: {  	v1 =	vld [tilespmem:s2+$0x20];
	_ =	sdelay $0x6  }
0x105: {  	v2 =	vld [tilespmem:s28+$0x20]  }
0x106: {  	v1 =	vld.idx.msk [tilespmem:v1+s25+$0x0], $0xffff;
	_ =	sdelay $0x4  }
0x107: {  	v1 =	vmul.f32 v1, v2;
	_ =	sdelay $0x1  }
0x108: {  	[tilespmem:s1+$0x60] =	vst v1  }
0x109: {  	v1 =	vld [tilespmem:s2+$0x30];
	_ =	sdelay $0x6  }
0x10a: {  	v2 =	vld [tilespmem:s28+$0x30]  }
0x10b: {  	v1 =	vld.idx.msk [tilespmem:v1+s25+$0x0], $0xffff;
	_ =	sdelay $0x3  }
0x10c: {  	p2 =	sne.s32 s29, $0x1  }
.Ltmp3:
0x10d: {  	v1 =	vmul.f32 v1, v2;
	(pc) =	sbr.rel @p2 .LBB2_6-.Ltmp3, $4  }
0x10e: {  	_ = 	snop  }
0x10f: {  	s29 =	sadd.s32 $0xFFFFFFFF, s29;
	s2 =	sadd.s32 $0x80, s2;
	[tilespmem:s1+$0x70] =	vst v1  }
0x110: {  	[spmem:s3] =	stream.indirect.scatter.add.f32 [tilespmem:s1], [sflag:$0x1], $0x1, s0, s22, $0xb8;
	[tilespmem:$0x17780] =	vst v63  }
0x111: {  	s28 =	sadd.s32 $0x80, s28;
	s0 =	sadd.s32 $0x80, s0;
	s1 =	sadd.s32 $0x80, s1  }
0x112: {  	s0 =	simm.s32 @p0 $0x1  }
0x113: {  	_ =	swait.ge @p0 [sflag:s0], $0x3200  }
0x114: {  	[sflag:s0] =	ssyncset.done @p0 $0x0  }
0x115: {  	[sflag:s0] =	ssyncadd.s32 @p0 $0xFFFFCE00;
	s0 =	simm.s32 @!p0 $0x1  }
0x116: {  	_ =	swait.ge @!p0 [sflag:s0], $0x5000  }
0x117: {  	[sflag:s0] =	ssyncset.done @!p0 $0x0  }
0x118: {  	[sflag:s0] =	ssyncadd.s32 @!p0 $0xFFFFB000  }
0x119: {  	[bflag:$0x0] =	sbarrier.arrive $0xFFFF  }
0x11a: {  	[tilespmem:s23], [sflag:$0x2] =	stream.linear.gather [spmem:s15], $0x280, $0x38;
	[tilespmem:$0x17780] =	vst v63  }
0x11b: {  	_ =	swait.ge [sflag:s20], $0x280  }
0x11c: {  	[sflag:s20] =	ssyncset.done $0x0  }
0x11d: {  	[sflag:s20] =	ssyncadd.s32 $0xFFFFFD80  }
0x11e: {  	s0 =	simm.s32 $0x0;
	v1 =	vld [tilespmem:$0x17200]  }
0x11f: {  	v2 =	vld [tilespmem:s0+$0x16800]  }
0x120: {  	s1 =	simm.s32 $0x40;
	v3 =	vld [tilespmem:s0+$0x16D00]  }
.LBB2_8:
0x121: {  	p2 =	sne.s32 s1, $0x9C0;
	v4 =	vld [tilespmem:s0+$0x16A80];
	_ =	sdelay $0x4  }
0x122: {  	v5 =	vmul.f32 v2, v2;
	v3 =	vadd.f32 v4, v3;
	_ =	sdelay $0x1  }
.Ltmp4:
0x123: {  	v2 =	vmul.f32 v2, v1;
	v3 =	vmul.f32 v3, v5;
	(pc) =	sbr.rel @p2 .LBB2_8-.Ltmp4, $4  }
0x124: {  	_ = 	snop  }
0x125: {  	s2 =	sshra.s32 s1, $0x2;
	v4 =	vadd.f32 v3, v2  }
0x126: {  	v2 =	vld [tilespmem:s2+$0x16800]  }
0x127: {  	s1 =	sadd.s32 $0x40, s1;
	v3 =	vld [tilespmem:s2+$0x16D00];
	[tilespmem:s0+$0x16A80] =	vst v4;
	s0 =	smov.u32 s2  }
0x128: {  	v4 =	vld [tilespmem:s0+$0x16A80];
	_ =	sdelay $0x4  }
0x129: {  	v5 =	vmul.f32 v2, v2;
	v3 =	vadd.f32 v4, v3;
	_ =	sdelay $0x1  }
0x12a: {  	v1 =	vmul.f32 v2, v1;
	v3 =	vmul.f32 v3, v5;
	_ =	sdelay $0x1  }
0x12b: {  	v1 =	vadd.f32 v3, v1;
	_ =	sdelay $0x1  }
0x12c: {  	[tilespmem:s0+$0x16A80] =	vst v1  }
0x12d: {  	[spmem:s16] =	stream.linear.scatter [tilespmem:s24], [sflag:$0x2], $0x280, $0x38;
	[tilespmem:$0x17780] =	vst v63  }
0x12e: {  	_ =	swait.ge [sflag:s20], $0x280  }
0x12f: {  	[sflag:s20] =	ssyncset.done $0x0  }
0x130: {  	[sflag:s20] =	ssyncadd.s32 $0xFFFFFD80  }
0x131: {  	[spmem:s15] =	stream.linear.scatter [tilespmem:s21], [sflag:$0x2], $0x280, $0x38;
	[tilespmem:$0x17780] =	vst v63  }
0x132: {  	_ =	swait.ge [sflag:s20], $0x280  }
0x133: {  	[sflag:s20] =	ssyncset.done $0x0  }
0x134: {  	[sflag:s20] =	ssyncadd.s32 $0xFFFFFD80  }
0x135: {  	[bflag:$0x0] =	sbarrier.arrive $0xFFFF  }
0x136: {  	[tilespmem:s25], [sflag:$0x2] =	stream.linear.gather [spmem:s4], $0x2800, $0x38;
	[tilespmem:$0x17780] =	vst v63  }
0x137: {  	s1 =	simm.s32 $0xF000;
	_ =	swait.ge [sflag:s20], $0x2800  }
0x138: {  	s2 =	simm.s32 $0x40;
	s28 =	simm.s32 $0xA040;
	[sflag:s20] =	ssyncset.done $0x0  }
0x139: {  	s29 =	smov.u32 s6;
	s0 =	simm.s32 $0x5000;
	[sflag:s20] =	ssyncadd.s32 $0xFFFFD800  }
.LBB2_10:
0x13a: {  	v1 =	vld [tilespmem:s2+$0xFFFFFFC0];
	_ =	sdelay $0x6  }
0x13b: {  	v2 =	vld [tilespmem:s28+$0xFFFFFFC0]  }
0x13c: {  	v1 =	vld.idx.msk [tilespmem:v1+s25+$0x0], $0xffff;
	_ =	sdelay $0x4  }
0x13d: {  	v1 =	vmul.f32 v1, v2;
	_ =	sdelay $0x1  }
0x13e: {  	[tilespmem:s1+$0x0] =	vst v1  }
0x13f: {  	v1 =	vld [tilespmem:s2+$0xFFFFFFD0];
	_ =	sdelay $0x6  }
0x140: {  	v2 =	vld [tilespmem:s28+$0xFFFFFFD0]  }
0x141: {  	v1 =	vld.idx.msk [tilespmem:v1+s25+$0x0], $0xffff;
	_ =	sdelay $0x4  }
0x142: {  	v1 =	vmul.f32 v1, v2;
	_ =	sdelay $0x1  }
0x143: {  	[tilespmem:s1+$0x10] =	vst v1  }
0x144: {  	v1 =	vld [tilespmem:s2+$0xFFFFFFE0];
	_ =	sdelay $0x6  }
0x145: {  	v2 =	vld [tilespmem:s28+$0xFFFFFFE0]  }
0x146: {  	v1 =	vld.idx.msk [tilespmem:v1+s25+$0x0], $0xffff;
	_ =	sdelay $0x4  }
0x147: {  	v1 =	vmul.f32 v1, v2;
	_ =	sdelay $0x1  }
0x148: {  	[tilespmem:s1+$0x20] =	vst v1  }
0x149: {  	v1 =	vld [tilespmem:s2+$0xFFFFFFF0];
	_ =	sdelay $0x6  }
0x14a: {  	v2 =	vld [tilespmem:s28+$0xFFFFFFF0]  }
0x14b: {  	v1 =	vld.idx.msk [tilespmem:v1+s25+$0x0], $0xffff;
	_ =	sdelay $0x4  }
0x14c: {  	v1 =	vmul.f32 v1, v2;
	_ =	sdelay $0x1  }
0x14d: {  	[tilespmem:s1+$0x30] =	vst v1  }
0x14e: {  	v1 =	vld [tilespmem:s2+$0x0];
	_ =	sdelay $0x6  }
0x14f: {  	v2 =	vld [tilespmem:s28+$0x0]  }
0x150: {  	v1 =	vld.idx.msk [tilespmem:v1+s25+$0x0], $0xffff;
	_ =	sdelay $0x4  }
0x151: {  	v1 =	vmul.f32 v1, v2;
	_ =	sdelay $0x1  }
0x152: {  	[tilespmem:s1+$0x40] =	vst v1  }
0x153: {  	v1 =	vld [tilespmem:s2+$0x10];
	_ =	sdelay $0x6  }
0x154: {  	v2 =	vld [tilespmem:s28+$0x10]  }
0x155: {  	v1 =	vld.idx.msk [tilespmem:v1+s25+$0x0], $0xffff;
	_ =	sdelay $0x4  }
0x156: {  	v1 =	vmul.f32 v1, v2;
	_ =	sdelay $0x1  }
0x157: {  	[tilespmem:s1+$0x50] =	vst v1  }
0x158: {  	v1 =	vld [tilespmem:s2+$0x20];
	_ =	sdelay $0x6  }
0x159: {  	v2 =	vld [tilespmem:s28+$0x20]  }
0x15a: {  	v1 =	vld.idx.msk [tilespmem:v1+s25+$0x0], $0xffff;
	_ =	sdelay $0x4  }
0x15b: {  	v1 =	vmul.f32 v1, v2;
	_ =	sdelay $0x1  }
0x15c: {  	[tilespmem:s1+$0x60] =	vst v1  }
0x15d: {  	v1 =	vld [tilespmem:s2+$0x30];
	_ =	sdelay $0x6  }
0x15e: {  	v2 =	vld [tilespmem:s28+$0x30]  }
0x15f: {  	v1 =	vld.idx.msk [tilespmem:v1+s25+$0x0], $0xffff;
	_ =	sdelay $0x3  }
0x160: {  	p2 =	sne.s32 s29, $0x1  }
.Ltmp5:
0x161: {  	v1 =	vmul.f32 v1, v2;
	(pc) =	sbr.rel @p2 .LBB2_10-.Ltmp5, $4  }
0x162: {  	_ = 	snop  }
0x163: {  	s29 =	sadd.s32 $0xFFFFFFFF, s29;
	s2 =	sadd.s32 $0x80, s2;
	[tilespmem:s1+$0x70] =	vst v1  }
0x164: {  	[spmem:s3] =	stream.indirect.scatter.add.f32 [tilespmem:s1], [sflag:$0x1], $0x1, s0, s22, $0xb8;
	[tilespmem:$0x17780] =	vst v63  }
0x165: {  	s28 =	sadd.s32 $0x80, s28;
	s0 =	sadd.s32 $0x80, s0;
	s1 =	sadd.s32 $0x80, s1  }
0x166: {  	s0 =	simm.s32 @p0 $0x1  }
0x167: {  	_ =	swait.ge @p0 [sflag:s0], $0x3200  }
0x168: {  	[sflag:s0] =	ssyncset.done @p0 $0x0  }
0x169: {  	[sflag:s0] =	ssyncadd.s32 @p0 $0xFFFFCE00;
	s0 =	simm.s32 @!p0 $0x1  }
0x16a: {  	_ =	swait.ge @!p0 [sflag:s0], $0x5000  }
0x16b: {  	[sflag:s0] =	ssyncset.done @!p0 $0x0  }
0x16c: {  	[sflag:s0] =	ssyncadd.s32 @!p0 $0xFFFFB000  }
0x16d: {  	[bflag:$0x0] =	sbarrier.arrive $0xFFFF  }
0x16e: {  	[tilespmem:s23], [sflag:$0x2] =	stream.linear.gather [spmem:s15], $0x280, $0x38;
	[tilespmem:$0x17780] =	vst v63  }
0x16f: {  	_ =	swait.ge [sflag:s20], $0x280  }
0x170: {  	[sflag:s20] =	ssyncset.done $0x0  }
0x171: {  	[sflag:s20] =	ssyncadd.s32 $0xFFFFFD80  }
0x172: {  	s0 =	simm.s32 $0x0;
	v1 =	vld [tilespmem:$0x17210]  }
0x173: {  	s2 =	simm.s32 $0x40;
	v2 =	vld [tilespmem:s0+$0x16D00]  }
.LBB2_12:
0x174: {  	p2 =	sne.s32 s2, $0x9C0;
	v3 =	vld [tilespmem:s0+$0x16A80];
	_ =	sdelay $0x1  }
0x175: {  	v4 =	vld [tilespmem:s0+$0x16800];
	_ =	sdelay $0x2  }
0x176: {  	v2 =	vadd.f32 v3, v2;
	_ =	sdelay $0x1  }
0x177: {  	v2 =	vmul.f32 v2, v4;
	_ =	sdelay $0x1  }
0x178: {  	v2 =	vadd.f32 v2, v1;
	_ =	sdelay $0x1  }
0x179: {  	v2 =	vsub.f32 $0.0e+00, v2;
	_ =	sdelay $0x1  }
0x17a: {  	v2 =	vmul.f32 $1.442695020e+00, v2;
	_ =	sdelay $0x1  }
0x17b: {  	(erf) = vpow2.f32 v2;
	_ =	sdelay $0x8  }
0x17c: {  	v2 =	vpop (erf)  }
0x17d: {  	v2 =	vadd.f32 $1.000000000e+00, v2;
	_ =	sdelay $0x1  }
0x17e: {  	(erf) = vrcp.f32 v2;
	_ =	sdelay $0x7  }
.Ltmp6:
0x17f: {  	(pc) =	sbr.rel @p2 .LBB2_12-.Ltmp6, $4  }
0x180: {  	v2 =	vpop (erf)  }
0x181: {  	v3 =	vmul.f32 $1.000000000e+01, v2  }
0x182: {  	s1 =	sshra.s32 s2, $0x2  }
0x183: {  	s2 =	sadd.s32 $0x40, s2;
	v2 =	vld [tilespmem:s1+$0x16D00];
	[tilespmem:s0+$0x16A80] =	vst v3;
	s0 =	smov.u32 s1  }
0x184: {  	v3 =	vld [tilespmem:s0+$0x16A80];
	_ =	sdelay $0x1  }
0x185: {  	v4 =	vld [tilespmem:s0+$0x16800];
	_ =	sdelay $0x2  }
0x186: {  	v2 =	vadd.f32 v3, v2;
	_ =	sdelay $0x1  }
0x187: {  	v2 =	vmul.f32 v2, v4;
	_ =	sdelay $0x1  }
0x188: {  	v1 =	vadd.f32 v2, v1;
	_ =	sdelay $0x1  }
0x189: {  	v1 =	vsub.f32 $0.0e+00, v1;
	_ =	sdelay $0x1  }
0x18a: {  	v1 =	vmul.f32 $1.442695020e+00, v1;
	_ =	sdelay $0x1  }
0x18b: {  	(erf) = vpow2.f32 v1;
	_ =	sdelay $0x8  }
0x18c: {  	v1 =	vpop (erf)  }
0x18d: {  	v1 =	vadd.f32 $1.000000000e+00, v1;
	_ =	sdelay $0x1  }
0x18e: {  	(erf) = vrcp.f32 v1;
	_ =	sdelay $0x8  }
0x18f: {  	v1 =	vpop (erf)  }
0x190: {  	v1 =	vmul.f32 $1.000000000e+01, v1  }
0x191: {  	s26 =	sadd.s32 $0x1, s26  }
0x192: {  	s1 =	simm.s32 @!p1 $0x16A80;
	p2 =	sne.s32 s26, s18;
	[tilespmem:s0+$0x16A80] =	vst v1;
	s0 =	simm.s32 @!p1 $0x0  }
0x193: {  	[hbm4b:s17+s0] =	stream.linear.scatter @!p1 [tilespmem:s1], [sflag:$0x2], $0x280, $0x38;
	[tilespmem:$0x17780] =	vst v63  }
.Ltmp7:
0x194: {  	_ = 	snop;
	(pc) =	sbr.rel @p2 .LBB2_1-.Ltmp7, $4  }
0x195: {  	s0 =	simm.s32 @!p1 $0x2  }
0x196: {  	_ =	swait.ge @!p1 [sflag:s0], $0x280  }
0x197: {  	[sflag:s0] =	ssyncset.done @!p1 $0x0  }
0x198: {  	[sflag:s0] =	ssyncadd.s32 @!p1 $0xFFFFFD80  }
0x199: {  	_ =	sfence.sel $0x180000  }
0x19a: {  	[bflag:$0x0] =	sbarrier.arrive $0xFFFF  }
0x19b: {  	_ =	strace $0x90000047  }
0x19c: {  	s0 =	stileid.u32;
	[bflag:$0x2] =	sbarrier.arrive $0xFFFF  }
0x19d: {  	p0 =	sne.s32 s0, $0x0;
	s0 =	rddreg [dreg:$0x5]  }
0x19e: {  	s0 =	sadd.s32 @!p0 $0x100000, s0  }
0x19f: {  	[sflag:s0] =	ssyncadd.tile.s32 @!p0 $0x1;
	_ =	shalt  }
.Lfunc_end2:
_tile_overlayer_lowered:
.L_overlay_start_2:
0x1a0: {  	(tag) =	ssettag $0x2  }
0x1a1: {  	s0 =	rddreg [dreg:$0x0];
	s2 =	stileid.u32  }
0x1a2: {  	s1 =	rddreg [dreg:$0x1];
	p0 =	sne.s32 s2, $0x0  }
0x1a3: {  	s3 =	rddreg [dreg:$0x2];
	[bflag:$0x3] =	sbarrier.arrive $0xFFFF;
	s2 =	simm.s32 @!p0 $0x1C02  }
0x1a4: {  	[timem:s3], [sflag:s2] =	dma.local @!p0 [hbm:s0], s1  }
0x1a5: {  	s0 =	simm.s32 @!p0 $0x2  }
0x1a6: {  	_ =	swait.ge @!p0 [sflag:s0], s1  }
0x1a7: {  	s1 =	ssub.s32 @!p0 $0x0, s1;
	[sflag:s0] =	ssyncset.done @!p0 $0x0  }
0x1a8: {  	[sflag:s0] =	ssyncadd.s32 @!p0 s1  }
0x1a9: {  	[bflag:$0x3] =	sbarrier.arrive $0xFFFF  }
0x1aa: {  	_ =	shalt  }

</sc_bundles>
